<compile_context>
chip_gen: v7x
topology: tpu7x:2x2x1
jax: 0.10.2.dev20260603
libtpu: 0.0.44.dev20260713+nightly
codegen_flags: <defaults>
</compile_context>

<pallas_src>
import functools

import jax
import jax.numpy as jnp
from jax import lax
from jax.experimental import pallas as pl
from jax.experimental.pallas import tpu as pltpu
from jax.experimental.pallas import tpu_sc as plsc

T = 1000
D = 128
B = 16384
NC = 2
NS = 16
NW = NC * NS
B_PER_W = B // NW
CH = 64
NCHUNK = B_PER_W // CH
STAGE_TILES = 8
STAGE_ROWS = 128

_mesh = plsc.VectorSubcoreMesh(core_axis_name="c", subcore_axis_name="s")


@functools.partial(
    pl.kernel,
    mesh=_mesh,
    out_type=jax.ShapeDtypeStruct((B, D), jnp.float32),
    scratch_types=[
        pltpu.VMEM((NCHUNK, CH), jnp.int32),
        pltpu.VMEM((NCHUNK, CH, D), jnp.float32),
        pltpu.VMEM_SHARED((T, D), jnp.float32),
        [pltpu.SemaphoreType.DMA] * NCHUNK,
        pltpu.SemaphoreType.DMA,
    ],
)
def _gather_kernel(idx_hbm, table_hbm, out_hbm, idx_v, rows_v, table_sh, gsems, psem):
    sid = lax.axis_index("s")
    wid = sid * NC + lax.axis_index("c")
    base = wid * B_PER_W
    idx_cp = pltpu.async_copy(idx_hbm.at[wid], idx_v, psem)

    for k in range(STAGE_TILES):
        nrows = min(STAGE_ROWS, T - k * STAGE_ROWS)

        @pl.when(sid == k)
        def _stage(k=k, nrows=nrows):
            pltpu.sync_copy(
                table_hbm.at[pl.ds(k * STAGE_ROWS, nrows)],
                table_sh.at[pl.ds(k * STAGE_ROWS, nrows)],
            )

    plsc.subcore_barrier()
    idx_cp.wait()
    gathers = [
        pltpu.async_copy(table_sh.at[idx_v.at[c]], rows_v.at[c], gsems[c])
        for c in range(NCHUNK)
    ]
    puts = []
    for c in range(NCHUNK):
        gathers[c].wait()
        puts.append(
            pltpu.async_copy(
                rows_v.at[c], out_hbm.at[pl.ds(base + c * CH, CH)], psem
            )
        )
    for p in puts:
        p.wait()


def kernel(t_idx, emb):
    idx = t_idx.astype(jnp.int32).reshape(NW, NCHUNK, CH)
    return _gather_kernel(idx, emb)

# --- scband reference (transcript-rebuilt; emitter-appended) ---
"""Pipeline reference for scband-time-embedding-42107859370799 (READ-ONLY COPY).

The authoritative reference and input builder live on the scoring server;
editing this copy changes nothing except your own understanding.
"""

import jax, jax.numpy as jnp
import numpy as np

T = 1000
D_MODEL = 128
BATCH = 16384

def setup_inputs(seed: int = 0) -> dict:
    key = jax.random.key(seed)
    k_idx, k_emb = jax.random.split(key)
    t_idx = jax.random.randint(k_idx, (BATCH,), 0, T, dtype=jnp.int64 if jax.config.jax_enable_x64 else jnp.int32)
    emb = jax.random.normal(k_emb, (T, D_MODEL), dtype=jnp.float32) * 0.02
    return {"t_idx": t_idx, "emb": emb}

def reference(t_idx, emb):
    # nn.Embedding forward: table row gather
    return jnp.take(emb, t_idx, axis=0)

if __name__ == "__main__":
    import jax
    _d = setup_inputs()
    print(jax.jit(kernel)(*tuple(_d.values())))

</pallas_src>

<mosaic_0001>
#map = affine_map<(d0, d1) -> (0, 0, 0)>
#map1 = affine_map<(d0, d1) -> (0, 0)>
module attributes {stable_mosaic.version = 14 : i64} {
  func.func @_gather_kernel(%arg0: i32, %arg1: i32, %arg2: memref<32x8x64xi32, #tpu.memory_space<hbm>>, %arg3: memref<1000x128xf32, #tpu.memory_space<hbm>>, %arg4: memref<16384x128xf32, #tpu.memory_space<hbm>>, %arg5: memref<8x64xi32, #tpu.memory_space<vmem>>, %arg6: memref<8x64x128xf32, #tpu.memory_space<vmem>>, %arg7: memref<1000x128xf32, #tpu.memory_space<vmem_shared>>, %arg8: memref<!tpu.dma_semaphore, #tpu.memory_space<semaphore_mem>>, %arg9: memref<!tpu.dma_semaphore, #tpu.memory_space<semaphore_mem>>, %arg10: memref<!tpu.dma_semaphore, #tpu.memory_space<semaphore_mem>>, %arg11: memref<!tpu.dma_semaphore, #tpu.memory_space<semaphore_mem>>, %arg12: memref<!tpu.dma_semaphore, #tpu.memory_space<semaphore_mem>>, %arg13: memref<!tpu.dma_semaphore, #tpu.memory_space<semaphore_mem>>, %arg14: memref<!tpu.dma_semaphore, #tpu.memory_space<semaphore_mem>>, %arg15: memref<!tpu.dma_semaphore, #tpu.memory_space<semaphore_mem>>, %arg16: memref<!tpu.dma_semaphore, #tpu.memory_space<semaphore_mem>>) attributes {dimension_semantics = [#tpu.dimension_semantics<core_parallel>, #tpu.dimension_semantics<subcore_parallel>], iteration_bounds = array<i64: 2, 16>, scalar_prefetch = 0 : i64, scratch_operands = 12 : i64, tpu.core_type = #tpu.core_type<sc_vector_subcore>, window_params = [{transform_indices = #map}, {transform_indices = #map1}, {transform_indices = #map1}]} {
    %mul3A = arith.constant 2 : i32
    %mul3A_0 = arith.muli %arg1, %mul3A : i32
    %add3A = arith.addi %mul3A_0, %arg0 : i32
    %mul3A_1 = arith.constant 512 : i32
    %mul3A_2 = arith.muli %add3A, %mul3A_1 : i32
    %dma_start3A = arith.constant 0 : i32
    %dma_start3A_3 = arith.constant 0 : i32
    %dma_start3A_4 = tpu.memref_slice %arg2[%add3A, %dma_start3A, %dma_start3A_3] : memref<32x8x64xi32, #tpu.memory_space<hbm>> -> memref<1x8x64xi32, #tpu.memory_space<hbm>>
    %dma_start3A_5 = tpu.memref_squeeze %dma_start3A_4 : memref<1x8x64xi32, #tpu.memory_space<hbm>> -> memref<8x64xi32, #tpu.memory_space<hbm>>
    %dma_start3A_6 = arith.constant 0 : i32
    %dma_start3A_7 = arith.constant 0 : i32
    %dma_start3A_8 = tpu.memref_slice %arg2[%add3A, %dma_start3A_6, %dma_start3A_7] : memref<32x8x64xi32, #tpu.memory_space<hbm>> -> memref<1x8x64xi32, #tpu.memory_space<hbm>>
    %dma_start3A_9 = tpu.memref_squeeze %dma_start3A_8 : memref<1x8x64xi32, #tpu.memory_space<hbm>> -> memref<8x64xi32, #tpu.memory_space<hbm>>
    tpu.enqueue_dma source(%dma_start3A_9 : memref<8x64xi32, #tpu.memory_space<hbm>>) target(%arg5 : memref<8x64xi32, #tpu.memory_space<vmem>>) target_semaphore(%arg16 : memref<!tpu.dma_semaphore, #tpu.memory_space<semaphore_mem>>)
    %eq3A = arith.constant 0 : i32
    %eq3A_10 = arith.cmpi eq, %arg1, %eq3A : i32
    %convert_element_type3A = arith.extui %eq3A_10 : i1 to i32
    %cond3A = arith.constant 0 : i32
    %cond3A_11 = arith.cmpi ne, %convert_element_type3A, %cond3A : i32
    scf.if %cond3A_11 {
      "tpu.region"() ({
        %run_scoped3A = tpu.sem_alloc : memref<!tpu.dma_semaphore, #tpu.memory_space<semaphore_mem>>
        %dma_start3A_470 = arith.constant 0 : i32
        %dma_start3A_471 = arith.constant 0 : i32
        %dma_start3A_472 = tpu.memref_slice %arg7[%dma_start3A_470, %dma_start3A_471] : memref<1000x128xf32, #tpu.memory_space<vmem_shared>> -> memref<128x128xf32, #tpu.memory_space<vmem_shared>>
        %dma_start3A_473 = arith.constant 0 : i32
        %dma_start3A_474 = arith.constant 0 : i32
        %dma_start3A_475 = tpu.memref_slice %arg3[%dma_start3A_473, %dma_start3A_474] : memref<1000x128xf32, #tpu.memory_space<hbm>> -> memref<128x128xf32, #tpu.memory_space<hbm>>
        tpu.enqueue_dma source(%dma_start3A_475 : memref<128x128xf32, #tpu.memory_space<hbm>>) target(%dma_start3A_472 : memref<128x128xf32, #tpu.memory_space<vmem_shared>>) target_semaphore(%run_scoped3A : memref<!tpu.dma_semaphore, #tpu.memory_space<semaphore_mem>>)
        %dma_wait3A_476 = arith.constant 0 : i32
        %dma_wait3A_477 = arith.constant 0 : i32
        %dma_wait3A_478 = tpu.memref_slice %arg7[%dma_wait3A_476, %dma_wait3A_477] : memref<1000x128xf32, #tpu.memory_space<vmem_shared>> -> memref<128x128xf32, #tpu.memory_space<vmem_shared>>
        %dma_wait3A_479 = arith.constant 0 : i32
        %dma_wait3A_480 = arith.constant 0 : i32
        %dma_wait3A_481 = tpu.memref_slice %arg3[%dma_wait3A_479, %dma_wait3A_480] : memref<1000x128xf32, #tpu.memory_space<hbm>> -> memref<128x128xf32, #tpu.memory_space<hbm>>
        tpu.wait_dma2 semaphore(%run_scoped3A : memref<!tpu.dma_semaphore, #tpu.memory_space<semaphore_mem>>) src(%dma_wait3A_481 : memref<128x128xf32, #tpu.memory_space<hbm>>) dst(%dma_wait3A_478 : memref<128x128xf32, #tpu.memory_space<vmem_shared>>)
        tpu.yield
      }) : () -> ()
    } else {
    }
    %eq3A_12 = arith.constant 1 : i32
    %eq3A_13 = arith.cmpi eq, %arg1, %eq3A_12 : i32
    %convert_element_type3A_14 = arith.extui %eq3A_13 : i1 to i32
    %cond3A_15 = arith.constant 0 : i32
    %cond3A_16 = arith.cmpi ne, %convert_element_type3A_14, %cond3A_15 : i32
    scf.if %cond3A_16 {
      "tpu.region"() ({
        %run_scoped3A = tpu.sem_alloc : memref<!tpu.dma_semaphore, #tpu.memory_space<semaphore_mem>>
        %dma_start3A_470 = arith.constant 128 : i32
        %dma_start3A_471 = arith.constant 0 : i32
        %dma_start3A_472 = tpu.memref_slice %arg7[%dma_start3A_470, %dma_start3A_471] : memref<1000x128xf32, #tpu.memory_space<vmem_shared>> -> memref<128x128xf32, #tpu.memory_space<vmem_shared>>
        %dma_start3A_473 = arith.constant 128 : i32
        %dma_start3A_474 = arith.constant 0 : i32
        %dma_start3A_475 = tpu.memref_slice %arg3[%dma_start3A_473, %dma_start3A_474] : memref<1000x128xf32, #tpu.memory_space<hbm>> -> memref<128x128xf32, #tpu.memory_space<hbm>>
        tpu.enqueue_dma source(%dma_start3A_475 : memref<128x128xf32, #tpu.memory_space<hbm>>) target(%dma_start3A_472 : memref<128x128xf32, #tpu.memory_space<vmem_shared>>) target_semaphore(%run_scoped3A : memref<!tpu.dma_semaphore, #tpu.memory_space<semaphore_mem>>)
        %dma_wait3A_476 = arith.constant 128 : i32
        %dma_wait3A_477 = arith.constant 0 : i32
        %dma_wait3A_478 = tpu.memref_slice %arg7[%dma_wait3A_476, %dma_wait3A_477] : memref<1000x128xf32, #tpu.memory_space<vmem_shared>> -> memref<128x128xf32, #tpu.memory_space<vmem_shared>>
        %dma_wait3A_479 = arith.constant 128 : i32
        %dma_wait3A_480 = arith.constant 0 : i32
        %dma_wait3A_481 = tpu.memref_slice %arg3[%dma_wait3A_479, %dma_wait3A_480] : memref<1000x128xf32, #tpu.memory_space<hbm>> -> memref<128x128xf32, #tpu.memory_space<hbm>>
        tpu.wait_dma2 semaphore(%run_scoped3A : memref<!tpu.dma_semaphore, #tpu.memory_space<semaphore_mem>>) src(%dma_wait3A_481 : memref<128x128xf32, #tpu.memory_space<hbm>>) dst(%dma_wait3A_478 : memref<128x128xf32, #tpu.memory_space<vmem_shared>>)
        tpu.yield
      }) : () -> ()
    } else {
    }
    %eq3A_17 = arith.constant 2 : i32
    %eq3A_18 = arith.cmpi eq, %arg1, %eq3A_17 : i32
    %convert_element_type3A_19 = arith.extui %eq3A_18 : i1 to i32
    %cond3A_20 = arith.constant 0 : i32
    %cond3A_21 = arith.cmpi ne, %convert_element_type3A_19, %cond3A_20 : i32
    scf.if %cond3A_21 {
      "tpu.region"() ({
        %run_scoped3A = tpu.sem_alloc : memref<!tpu.dma_semaphore, #tpu.memory_space<semaphore_mem>>
        %dma_start3A_470 = arith.constant 256 : i32
        %dma_start3A_471 = arith.constant 0 : i32
        %dma_start3A_472 = tpu.memref_slice %arg7[%dma_start3A_470, %dma_start3A_471] : memref<1000x128xf32, #tpu.memory_space<vmem_shared>> -> memref<128x128xf32, #tpu.memory_space<vmem_shared>>
        %dma_start3A_473 = arith.constant 256 : i32
        %dma_start3A_474 = arith.constant 0 : i32
        %dma_start3A_475 = tpu.memref_slice %arg3[%dma_start3A_473, %dma_start3A_474] : memref<1000x128xf32, #tpu.memory_space<hbm>> -> memref<128x128xf32, #tpu.memory_space<hbm>>
        tpu.enqueue_dma source(%dma_start3A_475 : memref<128x128xf32, #tpu.memory_space<hbm>>) target(%dma_start3A_472 : memref<128x128xf32, #tpu.memory_space<vmem_shared>>) target_semaphore(%run_scoped3A : memref<!tpu.dma_semaphore, #tpu.memory_space<semaphore_mem>>)
        %dma_wait3A_476 = arith.constant 256 : i32
        %dma_wait3A_477 = arith.constant 0 : i32
        %dma_wait3A_478 = tpu.memref_slice %arg7[%dma_wait3A_476, %dma_wait3A_477] : memref<1000x128xf32, #tpu.memory_space<vmem_shared>> -> memref<128x128xf32, #tpu.memory_space<vmem_shared>>
        %dma_wait3A_479 = arith.constant 256 : i32
        %dma_wait3A_480 = arith.constant 0 : i32
        %dma_wait3A_481 = tpu.memref_slice %arg3[%dma_wait3A_479, %dma_wait3A_480] : memref<1000x128xf32, #tpu.memory_space<hbm>> -> memref<128x128xf32, #tpu.memory_space<hbm>>
        tpu.wait_dma2 semaphore(%run_scoped3A : memref<!tpu.dma_semaphore, #tpu.memory_space<semaphore_mem>>) src(%dma_wait3A_481 : memref<128x128xf32, #tpu.memory_space<hbm>>) dst(%dma_wait3A_478 : memref<128x128xf32, #tpu.memory_space<vmem_shared>>)
        tpu.yield
      }) : () -> ()
    } else {
    }
    %eq3A_22 = arith.constant 3 : i32
    %eq3A_23 = arith.cmpi eq, %arg1, %eq3A_22 : i32
    %convert_element_type3A_24 = arith.extui %eq3A_23 : i1 to i32
    %cond3A_25 = arith.constant 0 : i32
    %cond3A_26 = arith.cmpi ne, %convert_element_type3A_24, %cond3A_25 : i32
    scf.if %cond3A_26 {
      "tpu.region"() ({
        %run_scoped3A = tpu.sem_alloc : memref<!tpu.dma_semaphore, #tpu.memory_space<semaphore_mem>>
        %dma_start3A_470 = arith.constant 384 : i32
        %dma_start3A_471 = arith.constant 0 : i32
        %dma_start3A_472 = tpu.memref_slice %arg7[%dma_start3A_470, %dma_start3A_471] : memref<1000x128xf32, #tpu.memory_space<vmem_shared>> -> memref<128x128xf32, #tpu.memory_space<vmem_shared>>
        %dma_start3A_473 = arith.constant 384 : i32
        %dma_start3A_474 = arith.constant 0 : i32
        %dma_start3A_475 = tpu.memref_slice %arg3[%dma_start3A_473, %dma_start3A_474] : memref<1000x128xf32, #tpu.memory_space<hbm>> -> memref<128x128xf32, #tpu.memory_space<hbm>>
        tpu.enqueue_dma source(%dma_start3A_475 : memref<128x128xf32, #tpu.memory_space<hbm>>) target(%dma_start3A_472 : memref<128x128xf32, #tpu.memory_space<vmem_shared>>) target_semaphore(%run_scoped3A : memref<!tpu.dma_semaphore, #tpu.memory_space<semaphore_mem>>)
        %dma_wait3A_476 = arith.constant 384 : i32
        %dma_wait3A_477 = arith.constant 0 : i32
        %dma_wait3A_478 = tpu.memref_slice %arg7[%dma_wait3A_476, %dma_wait3A_477] : memref<1000x128xf32, #tpu.memory_space<vmem_shared>> -> memref<128x128xf32, #tpu.memory_space<vmem_shared>>
        %dma_wait3A_479 = arith.constant 384 : i32
        %dma_wait3A_480 = arith.constant 0 : i32
        %dma_wait3A_481 = tpu.memref_slice %arg3[%dma_wait3A_479, %dma_wait3A_480] : memref<1000x128xf32, #tpu.memory_space<hbm>> -> memref<128x128xf32, #tpu.memory_space<hbm>>
        tpu.wait_dma2 semaphore(%run_scoped3A : memref<!tpu.dma_semaphore, #tpu.memory_space<semaphore_mem>>) src(%dma_wait3A_481 : memref<128x128xf32, #tpu.memory_space<hbm>>) dst(%dma_wait3A_478 : memref<128x128xf32, #tpu.memory_space<vmem_shared>>)
        tpu.yield
      }) : () -> ()
    } else {
    }
    %eq3A_27 = arith.constant 4 : i32
    %eq3A_28 = arith.cmpi eq, %arg1, %eq3A_27 : i32
    %convert_element_type3A_29 = arith.extui %eq3A_28 : i1 to i32
    %cond3A_30 = arith.constant 0 : i32
    %cond3A_31 = arith.cmpi ne, %convert_element_type3A_29, %cond3A_30 : i32
    scf.if %cond3A_31 {
      "tpu.region"() ({
        %run_scoped3A = tpu.sem_alloc : memref<!tpu.dma_semaphore, #tpu.memory_space<semaphore_mem>>
        %dma_start3A_470 = arith.constant 512 : i32
        %dma_start3A_471 = arith.constant 0 : i32
        %dma_start3A_472 = tpu.memref_slice %arg7[%dma_start3A_470, %dma_start3A_471] : memref<1000x128xf32, #tpu.memory_space<vmem_shared>> -> memref<128x128xf32, #tpu.memory_space<vmem_shared>>
        %dma_start3A_473 = arith.constant 512 : i32
        %dma_start3A_474 = arith.constant 0 : i32
        %dma_start3A_475 = tpu.memref_slice %arg3[%dma_start3A_473, %dma_start3A_474] : memref<1000x128xf32, #tpu.memory_space<hbm>> -> memref<128x128xf32, #tpu.memory_space<hbm>>
        tpu.enqueue_dma source(%dma_start3A_475 : memref<128x128xf32, #tpu.memory_space<hbm>>) target(%dma_start3A_472 : memref<128x128xf32, #tpu.memory_space<vmem_shared>>) target_semaphore(%run_scoped3A : memref<!tpu.dma_semaphore, #tpu.memory_space<semaphore_mem>>)
        %dma_wait3A_476 = arith.constant 512 : i32
        %dma_wait3A_477 = arith.constant 0 : i32
        %dma_wait3A_478 = tpu.memref_slice %arg7[%dma_wait3A_476, %dma_wait3A_477] : memref<1000x128xf32, #tpu.memory_space<vmem_shared>> -> memref<128x128xf32, #tpu.memory_space<vmem_shared>>
        %dma_wait3A_479 = arith.constant 512 : i32
        %dma_wait3A_480 = arith.constant 0 : i32
        %dma_wait3A_481 = tpu.memref_slice %arg3[%dma_wait3A_479, %dma_wait3A_480] : memref<1000x128xf32, #tpu.memory_space<hbm>> -> memref<128x128xf32, #tpu.memory_space<hbm>>
        tpu.wait_dma2 semaphore(%run_scoped3A : memref<!tpu.dma_semaphore, #tpu.memory_space<semaphore_mem>>) src(%dma_wait3A_481 : memref<128x128xf32, #tpu.memory_space<hbm>>) dst(%dma_wait3A_478 : memref<128x128xf32, #tpu.memory_space<vmem_shared>>)
        tpu.yield
      }) : () -> ()
    } else {
    }
    %eq3A_32 = arith.constant 5 : i32
    %eq3A_33 = arith.cmpi eq, %arg1, %eq3A_32 : i32
    %convert_element_type3A_34 = arith.extui %eq3A_33 : i1 to i32
    %cond3A_35 = arith.constant 0 : i32
    %cond3A_36 = arith.cmpi ne, %convert_element_type3A_34, %cond3A_35 : i32
    scf.if %cond3A_36 {
      "tpu.region"() ({
        %run_scoped3A = tpu.sem_alloc : memref<!tpu.dma_semaphore, #tpu.memory_space<semaphore_mem>>
        %dma_start3A_470 = arith.constant 640 : i32
        %dma_start3A_471 = arith.constant 0 : i32
        %dma_start3A_472 = tpu.memref_slice %arg7[%dma_start3A_470, %dma_start3A_471] : memref<1000x128xf32, #tpu.memory_space<vmem_shared>> -> memref<128x128xf32, #tpu.memory_space<vmem_shared>>
        %dma_start3A_473 = arith.constant 640 : i32
        %dma_start3A_474 = arith.constant 0 : i32
        %dma_start3A_475 = tpu.memref_slice %arg3[%dma_start3A_473, %dma_start3A_474] : memref<1000x128xf32, #tpu.memory_space<hbm>> -> memref<128x128xf32, #tpu.memory_space<hbm>>
        tpu.enqueue_dma source(%dma_start3A_475 : memref<128x128xf32, #tpu.memory_space<hbm>>) target(%dma_start3A_472 : memref<128x128xf32, #tpu.memory_space<vmem_shared>>) target_semaphore(%run_scoped3A : memref<!tpu.dma_semaphore, #tpu.memory_space<semaphore_mem>>)
        %dma_wait3A_476 = arith.constant 640 : i32
        %dma_wait3A_477 = arith.constant 0 : i32
        %dma_wait3A_478 = tpu.memref_slice %arg7[%dma_wait3A_476, %dma_wait3A_477] : memref<1000x128xf32, #tpu.memory_space<vmem_shared>> -> memref<128x128xf32, #tpu.memory_space<vmem_shared>>
        %dma_wait3A_479 = arith.constant 640 : i32
        %dma_wait3A_480 = arith.constant 0 : i32
        %dma_wait3A_481 = tpu.memref_slice %arg3[%dma_wait3A_479, %dma_wait3A_480] : memref<1000x128xf32, #tpu.memory_space<hbm>> -> memref<128x128xf32, #tpu.memory_space<hbm>>
        tpu.wait_dma2 semaphore(%run_scoped3A : memref<!tpu.dma_semaphore, #tpu.memory_space<semaphore_mem>>) src(%dma_wait3A_481 : memref<128x128xf32, #tpu.memory_space<hbm>>) dst(%dma_wait3A_478 : memref<128x128xf32, #tpu.memory_space<vmem_shared>>)
        tpu.yield
      }) : () -> ()
    } else {
    }
    %eq3A_37 = arith.constant 6 : i32
    %eq3A_38 = arith.cmpi eq, %arg1, %eq3A_37 : i32
    %convert_element_type3A_39 = arith.extui %eq3A_38 : i1 to i32
    %cond3A_40 = arith.constant 0 : i32
    %cond3A_41 = arith.cmpi ne, %convert_element_type3A_39, %cond3A_40 : i32
    scf.if %cond3A_41 {
      "tpu.region"() ({
        %run_scoped3A = tpu.sem_alloc : memref<!tpu.dma_semaphore, #tpu.memory_space<semaphore_mem>>
        %dma_start3A_470 = arith.constant 768 : i32
        %dma_start3A_471 = arith.constant 0 : i32
        %dma_start3A_472 = tpu.memref_slice %arg7[%dma_start3A_470, %dma_start3A_471] : memref<1000x128xf32, #tpu.memory_space<vmem_shared>> -> memref<128x128xf32, #tpu.memory_space<vmem_shared>>
        %dma_start3A_473 = arith.constant 768 : i32
        %dma_start3A_474 = arith.constant 0 : i32
        %dma_start3A_475 = tpu.memref_slice %arg3[%dma_start3A_473, %dma_start3A_474] : memref<1000x128xf32, #tpu.memory_space<hbm>> -> memref<128x128xf32, #tpu.memory_space<hbm>>
        tpu.enqueue_dma source(%dma_start3A_475 : memref<128x128xf32, #tpu.memory_space<hbm>>) target(%dma_start3A_472 : memref<128x128xf32, #tpu.memory_space<vmem_shared>>) target_semaphore(%run_scoped3A : memref<!tpu.dma_semaphore, #tpu.memory_space<semaphore_mem>>)
        %dma_wait3A_476 = arith.constant 768 : i32
        %dma_wait3A_477 = arith.constant 0 : i32
        %dma_wait3A_478 = tpu.memref_slice %arg7[%dma_wait3A_476, %dma_wait3A_477] : memref<1000x128xf32, #tpu.memory_space<vmem_shared>> -> memref<128x128xf32, #tpu.memory_space<vmem_shared>>
        %dma_wait3A_479 = arith.constant 768 : i32
        %dma_wait3A_480 = arith.constant 0 : i32
        %dma_wait3A_481 = tpu.memref_slice %arg3[%dma_wait3A_479, %dma_wait3A_480] : memref<1000x128xf32, #tpu.memory_space<hbm>> -> memref<128x128xf32, #tpu.memory_space<hbm>>
        tpu.wait_dma2 semaphore(%run_scoped3A : memref<!tpu.dma_semaphore, #tpu.memory_space<semaphore_mem>>) src(%dma_wait3A_481 : memref<128x128xf32, #tpu.memory_space<hbm>>) dst(%dma_wait3A_478 : memref<128x128xf32, #tpu.memory_space<vmem_shared>>)
        tpu.yield
      }) : () -> ()
    } else {
    }
    %eq3A_42 = arith.constant 7 : i32
    %eq3A_43 = arith.cmpi eq, %arg1, %eq3A_42 : i32
    %convert_element_type3A_44 = arith.extui %eq3A_43 : i1 to i32
    %cond3A_45 = arith.constant 0 : i32
    %cond3A_46 = arith.cmpi ne, %convert_element_type3A_44, %cond3A_45 : i32
    scf.if %cond3A_46 {
      "tpu.region"() ({
        %run_scoped3A = tpu.sem_alloc : memref<!tpu.dma_semaphore, #tpu.memory_space<semaphore_mem>>
        %dma_start3A_470 = arith.constant 896 : i32
        %dma_start3A_471 = arith.constant 0 : i32
        %dma_start3A_472 = tpu.memref_slice %arg7[%dma_start3A_470, %dma_start3A_471] : memref<1000x128xf32, #tpu.memory_space<vmem_shared>> -> memref<104x128xf32, #tpu.memory_space<vmem_shared>>
        %dma_start3A_473 = arith.constant 896 : i32
        %dma_start3A_474 = arith.constant 0 : i32
        %dma_start3A_475 = tpu.memref_slice %arg3[%dma_start3A_473, %dma_start3A_474] : memref<1000x128xf32, #tpu.memory_space<hbm>> -> memref<104x128xf32, #tpu.memory_space<hbm>>
        tpu.enqueue_dma source(%dma_start3A_475 : memref<104x128xf32, #tpu.memory_space<hbm>>) target(%dma_start3A_472 : memref<104x128xf32, #tpu.memory_space<vmem_shared>>) target_semaphore(%run_scoped3A : memref<!tpu.dma_semaphore, #tpu.memory_space<semaphore_mem>>)
        %dma_wait3A_476 = arith.constant 896 : i32
        %dma_wait3A_477 = arith.constant 0 : i32
        %dma_wait3A_478 = tpu.memref_slice %arg7[%dma_wait3A_476, %dma_wait3A_477] : memref<1000x128xf32, #tpu.memory_space<vmem_shared>> -> memref<104x128xf32, #tpu.memory_space<vmem_shared>>
        %dma_wait3A_479 = arith.constant 896 : i32
        %dma_wait3A_480 = arith.constant 0 : i32
        %dma_wait3A_481 = tpu.memref_slice %arg3[%dma_wait3A_479, %dma_wait3A_480] : memref<1000x128xf32, #tpu.memory_space<hbm>> -> memref<104x128xf32, #tpu.memory_space<hbm>>
        tpu.wait_dma2 semaphore(%run_scoped3A : memref<!tpu.dma_semaphore, #tpu.memory_space<semaphore_mem>>) src(%dma_wait3A_481 : memref<104x128xf32, #tpu.memory_space<hbm>>) dst(%dma_wait3A_478 : memref<104x128xf32, #tpu.memory_space<vmem_shared>>)
        tpu.yield
      }) : () -> ()
    } else {
    }
    %barrier3A = arith.constant 0 : index
    tpu.barrier barrier_id(%barrier3A)
    %dma_wait3A = arith.constant 0 : i32
    %dma_wait3A_47 = arith.constant 0 : i32
    %dma_wait3A_48 = tpu.memref_slice %arg2[%add3A, %dma_wait3A, %dma_wait3A_47] : memref<32x8x64xi32, #tpu.memory_space<hbm>> -> memref<1x8x64xi32, #tpu.memory_space<hbm>>
    %dma_wait3A_49 = tpu.memref_squeeze %dma_wait3A_48 : memref<1x8x64xi32, #tpu.memory_space<hbm>> -> memref<8x64xi32, #tpu.memory_space<hbm>>
    %dma_wait3A_50 = arith.constant 0 : i32
    %dma_wait3A_51 = arith.constant 0 : i32
    %dma_wait3A_52 = tpu.memref_slice %arg2[%add3A, %dma_wait3A_50, %dma_wait3A_51] : memref<32x8x64xi32, #tpu.memory_space<hbm>> -> memref<1x8x64xi32, #tpu.memory_space<hbm>>
    %dma_wait3A_53 = tpu.memref_squeeze %dma_wait3A_52 : memref<1x8x64xi32, #tpu.memory_space<hbm>> -> memref<8x64xi32, #tpu.memory_space<hbm>>
    tpu.wait_dma2 semaphore(%arg16 : memref<!tpu.dma_semaphore, #tpu.memory_space<semaphore_mem>>) src(%dma_wait3A_53 : memref<8x64xi32, #tpu.memory_space<hbm>>) dst(%arg5 : memref<8x64xi32, #tpu.memory_space<vmem>>)
    %dma_start3A_54 = arith.constant 0 : i32
    %dma_start3A_55 = arith.constant 0 : i32
    %dma_start3A_56 = arith.constant 0 : i32
    %dma_start3A_57 = arith.constant 0 : i32
    %dma_start3A_58 = tpu.memref_slice %arg6[%dma_start3A_55, %dma_start3A_56, %dma_start3A_57] : memref<8x64x128xf32, #tpu.memory_space<vmem>> -> memref<1x64x128xf32, #tpu.memory_space<vmem>>
    %dma_start3A_59 = tpu.memref_squeeze %dma_start3A_58 : memref<1x64x128xf32, #tpu.memory_space<vmem>> -> memref<64x128xf32, #tpu.memory_space<vmem>>
    %dma_start3A_60 = arith.constant 0 : i32
    %dma_start3A_61 = tpu.memref_slice %arg5[%dma_start3A_54, %dma_start3A_60] : memref<8x64xi32, #tpu.memory_space<vmem>> -> memref<1x64xi32, #tpu.memory_space<vmem>>
    %dma_start3A_62 = tpu.memref_squeeze %dma_start3A_61 : memref<1x64xi32, #tpu.memory_space<vmem>> -> memref<64xi32, #tpu.memory_space<vmem>>
    %dma_start3A_63 = arith.constant 0 : i32
    %dma_start3A_64 = arith.constant 0 : i32
    %dma_start3A_65 = tpu.memref_slice %arg7[%dma_start3A_63, %dma_start3A_64] : memref<1000x128xf32, #tpu.memory_space<vmem_shared>> -> memref<1000x128xf32, #tpu.memory_space<vmem_shared>>
    tpu.enqueue_indirect_dma source(%dma_start3A_65 : memref<1000x128xf32, #tpu.memory_space<vmem_shared>>) target(%dma_start3A_59 : memref<64x128xf32, #tpu.memory_space<vmem>>) offsets(%dma_start3A_62 : memref<64xi32, #tpu.memory_space<vmem>>) semaphore(%arg8 : memref<!tpu.dma_semaphore, #tpu.memory_space<semaphore_mem>>)
    %dma_start3A_66 = arith.constant 1 : i32
    %dma_start3A_67 = arith.constant 1 : i32
    %dma_start3A_68 = arith.constant 0 : i32
    %dma_start3A_69 = arith.constant 0 : i32
    %dma_start3A_70 = tpu.memref_slice %arg6[%dma_start3A_67, %dma_start3A_68, %dma_start3A_69] : memref<8x64x128xf32, #tpu.memory_space<vmem>> -> memref<1x64x128xf32, #tpu.memory_space<vmem>>
    %dma_start3A_71 = tpu.memref_squeeze %dma_start3A_70 : memref<1x64x128xf32, #tpu.memory_space<vmem>> -> memref<64x128xf32, #tpu.memory_space<vmem>>
    %dma_start3A_72 = arith.constant 0 : i32
    %dma_start3A_73 = tpu.memref_slice %arg5[%dma_start3A_66, %dma_start3A_72] : memref<8x64xi32, #tpu.memory_space<vmem>> -> memref<1x64xi32, #tpu.memory_space<vmem>>
    %dma_start3A_74 = tpu.memref_squeeze %dma_start3A_73 : memref<1x64xi32, #tpu.memory_space<vmem>> -> memref<64xi32, #tpu.memory_space<vmem>>
    %dma_start3A_75 = arith.constant 0 : i32
    %dma_start3A_76 = arith.constant 0 : i32
    %dma_start3A_77 = tpu.memref_slice %arg7[%dma_start3A_75, %dma_start3A_76] : memref<1000x128xf32, #tpu.memory_space<vmem_shared>> -> memref<1000x128xf32, #tpu.memory_space<vmem_shared>>
    tpu.enqueue_indirect_dma source(%dma_start3A_77 : memref<1000x128xf32, #tpu.memory_space<vmem_shared>>) target(%dma_start3A_71 : memref<64x128xf32, #tpu.memory_space<vmem>>) offsets(%dma_start3A_74 : memref<64xi32, #tpu.memory_space<vmem>>) semaphore(%arg9 : memref<!tpu.dma_semaphore, #tpu.memory_space<semaphore_mem>>)
    %dma_start3A_78 = arith.constant 2 : i32
    %dma_start3A_79 = arith.constant 2 : i32
    %dma_start3A_80 = arith.constant 0 : i32
    %dma_start3A_81 = arith.constant 0 : i32
    %dma_start3A_82 = tpu.memref_slice %arg6[%dma_start3A_79, %dma_start3A_80, %dma_start3A_81] : memref<8x64x128xf32, #tpu.memory_space<vmem>> -> memref<1x64x128xf32, #tpu.memory_space<vmem>>
    %dma_start3A_83 = tpu.memref_squeeze %dma_start3A_82 : memref<1x64x128xf32, #tpu.memory_space<vmem>> -> memref<64x128xf32, #tpu.memory_space<vmem>>
    %dma_start3A_84 = arith.constant 0 : i32
    %dma_start3A_85 = tpu.memref_slice %arg5[%dma_start3A_78, %dma_start3A_84] : memref<8x64xi32, #tpu.memory_space<vmem>> -> memref<1x64xi32, #tpu.memory_space<vmem>>
    %dma_start3A_86 = tpu.memref_squeeze %dma_start3A_85 : memref<1x64xi32, #tpu.memory_space<vmem>> -> memref<64xi32, #tpu.memory_space<vmem>>
    %dma_start3A_87 = arith.constant 0 : i32
    %dma_start3A_88 = arith.constant 0 : i32
    %dma_start3A_89 = tpu.memref_slice %arg7[%dma_start3A_87, %dma_start3A_88] : memref<1000x128xf32, #tpu.memory_space<vmem_shared>> -> memref<1000x128xf32, #tpu.memory_space<vmem_shared>>
    tpu.enqueue_indirect_dma source(%dma_start3A_89 : memref<1000x128xf32, #tpu.memory_space<vmem_shared>>) target(%dma_start3A_83 : memref<64x128xf32, #tpu.memory_space<vmem>>) offsets(%dma_start3A_86 : memref<64xi32, #tpu.memory_space<vmem>>) semaphore(%arg10 : memref<!tpu.dma_semaphore, #tpu.memory_space<semaphore_mem>>)
    %dma_start3A_90 = arith.constant 3 : i32
    %dma_start3A_91 = arith.constant 3 : i32
    %dma_start3A_92 = arith.constant 0 : i32
    %dma_start3A_93 = arith.constant 0 : i32
    %dma_start3A_94 = tpu.memref_slice %arg6[%dma_start3A_91, %dma_start3A_92, %dma_start3A_93] : memref<8x64x128xf32, #tpu.memory_space<vmem>> -> memref<1x64x128xf32, #tpu.memory_space<vmem>>
    %dma_start3A_95 = tpu.memref_squeeze %dma_start3A_94 : memref<1x64x128xf32, #tpu.memory_space<vmem>> -> memref<64x128xf32, #tpu.memory_space<vmem>>
    %dma_start3A_96 = arith.constant 0 : i32
    %dma_start3A_97 = tpu.memref_slice %arg5[%dma_start3A_90, %dma_start3A_96] : memref<8x64xi32, #tpu.memory_space<vmem>> -> memref<1x64xi32, #tpu.memory_space<vmem>>
    %dma_start3A_98 = tpu.memref_squeeze %dma_start3A_97 : memref<1x64xi32, #tpu.memory_space<vmem>> -> memref<64xi32, #tpu.memory_space<vmem>>
    %dma_start3A_99 = arith.constant 0 : i32
    %dma_start3A_100 = arith.constant 0 : i32
    %dma_start3A_101 = tpu.memref_slice %arg7[%dma_start3A_99, %dma_start3A_100] : memref<1000x128xf32, #tpu.memory_space<vmem_shared>> -> memref<1000x128xf32, #tpu.memory_space<vmem_shared>>
    tpu.enqueue_indirect_dma source(%dma_start3A_101 : memref<1000x128xf32, #tpu.memory_space<vmem_shared>>) target(%dma_start3A_95 : memref<64x128xf32, #tpu.memory_space<vmem>>) offsets(%dma_start3A_98 : memref<64xi32, #tpu.memory_space<vmem>>) semaphore(%arg11 : memref<!tpu.dma_semaphore, #tpu.memory_space<semaphore_mem>>)
    %dma_start3A_102 = arith.constant 4 : i32
    %dma_start3A_103 = arith.constant 4 : i32
    %dma_start3A_104 = arith.constant 0 : i32
    %dma_start3A_105 = arith.constant 0 : i32
    %dma_start3A_106 = tpu.memref_slice %arg6[%dma_start3A_103, %dma_start3A_104, %dma_start3A_105] : memref<8x64x128xf32, #tpu.memory_space<vmem>> -> memref<1x64x128xf32, #tpu.memory_space<vmem>>
    %dma_start3A_107 = tpu.memref_squeeze %dma_start3A_106 : memref<1x64x128xf32, #tpu.memory_space<vmem>> -> memref<64x128xf32, #tpu.memory_space<vmem>>
    %dma_start3A_108 = arith.constant 0 : i32
    %dma_start3A_109 = tpu.memref_slice %arg5[%dma_start3A_102, %dma_start3A_108] : memref<8x64xi32, #tpu.memory_space<vmem>> -> memref<1x64xi32, #tpu.memory_space<vmem>>
    %dma_start3A_110 = tpu.memref_squeeze %dma_start3A_109 : memref<1x64xi32, #tpu.memory_space<vmem>> -> memref<64xi32, #tpu.memory_space<vmem>>
    %dma_start3A_111 = arith.constant 0 : i32
    %dma_start3A_112 = arith.constant 0 : i32
    %dma_start3A_113 = tpu.memref_slice %arg7[%dma_start3A_111, %dma_start3A_112] : memref<1000x128xf32, #tpu.memory_space<vmem_shared>> -> memref<1000x128xf32, #tpu.memory_space<vmem_shared>>
    tpu.enqueue_indirect_dma source(%dma_start3A_113 : memref<1000x128xf32, #tpu.memory_space<vmem_shared>>) target(%dma_start3A_107 : memref<64x128xf32, #tpu.memory_space<vmem>>) offsets(%dma_start3A_110 : memref<64xi32, #tpu.memory_space<vmem>>) semaphore(%arg12 : memref<!tpu.dma_semaphore, #tpu.memory_space<semaphore_mem>>)
    %dma_start3A_114 = arith.constant 5 : i32
    %dma_start3A_115 = arith.constant 5 : i32
    %dma_start3A_116 = arith.constant 0 : i32
    %dma_start3A_117 = arith.constant 0 : i32
    %dma_start3A_118 = tpu.memref_slice %arg6[%dma_start3A_115, %dma_start3A_116, %dma_start3A_117] : memref<8x64x128xf32, #tpu.memory_space<vmem>> -> memref<1x64x128xf32, #tpu.memory_space<vmem>>
    %dma_start3A_119 = tpu.memref_squeeze %dma_start3A_118 : memref<1x64x128xf32, #tpu.memory_space<vmem>> -> memref<64x128xf32, #tpu.memory_space<vmem>>
    %dma_start3A_120 = arith.constant 0 : i32
    %dma_start3A_121 = tpu.memref_slice %arg5[%dma_start3A_114, %dma_start3A_120] : memref<8x64xi32, #tpu.memory_space<vmem>> -> memref<1x64xi32, #tpu.memory_space<vmem>>
    %dma_start3A_122 = tpu.memref_squeeze %dma_start3A_121 : memref<1x64xi32, #tpu.memory_space<vmem>> -> memref<64xi32, #tpu.memory_space<vmem>>
    %dma_start3A_123 = arith.constant 0 : i32
    %dma_start3A_124 = arith.constant 0 : i32
    %dma_start3A_125 = tpu.memref_slice %arg7[%dma_start3A_123, %dma_start3A_124] : memref<1000x128xf32, #tpu.memory_space<vmem_shared>> -> memref<1000x128xf32, #tpu.memory_space<vmem_shared>>
    tpu.enqueue_indirect_dma source(%dma_start3A_125 : memref<1000x128xf32, #tpu.memory_space<vmem_shared>>) target(%dma_start3A_119 : memref<64x128xf32, #tpu.memory_space<vmem>>) offsets(%dma_start3A_122 : memref<64xi32, #tpu.memory_space<vmem>>) semaphore(%arg13 : memref<!tpu.dma_semaphore, #tpu.memory_space<semaphore_mem>>)
    %dma_start3A_126 = arith.constant 6 : i32
    %dma_start3A_127 = arith.constant 6 : i32
    %dma_start3A_128 = arith.constant 0 : i32
    %dma_start3A_129 = arith.constant 0 : i32
    %dma_start3A_130 = tpu.memref_slice %arg6[%dma_start3A_127, %dma_start3A_128, %dma_start3A_129] : memref<8x64x128xf32, #tpu.memory_space<vmem>> -> memref<1x64x128xf32, #tpu.memory_space<vmem>>
    %dma_start3A_131 = tpu.memref_squeeze %dma_start3A_130 : memref<1x64x128xf32, #tpu.memory_space<vmem>> -> memref<64x128xf32, #tpu.memory_space<vmem>>
    %dma_start3A_132 = arith.constant 0 : i32
    %dma_start3A_133 = tpu.memref_slice %arg5[%dma_start3A_126, %dma_start3A_132] : memref<8x64xi32, #tpu.memory_space<vmem>> -> memref<1x64xi32, #tpu.memory_space<vmem>>
    %dma_start3A_134 = tpu.memref_squeeze %dma_start3A_133 : memref<1x64xi32, #tpu.memory_space<vmem>> -> memref<64xi32, #tpu.memory_space<vmem>>
    %dma_start3A_135 = arith.constant 0 : i32
    %dma_start3A_136 = arith.constant 0 : i32
    %dma_start3A_137 = tpu.memref_slice %arg7[%dma_start3A_135, %dma_start3A_136] : memref<1000x128xf32, #tpu.memory_space<vmem_shared>> -> memref<1000x128xf32, #tpu.memory_space<vmem_shared>>
    tpu.enqueue_indirect_dma source(%dma_start3A_137 : memref<1000x128xf32, #tpu.memory_space<vmem_shared>>) target(%dma_start3A_131 : memref<64x128xf32, #tpu.memory_space<vmem>>) offsets(%dma_start3A_134 : memref<64xi32, #tpu.memory_space<vmem>>) semaphore(%arg14 : memref<!tpu.dma_semaphore, #tpu.memory_space<semaphore_mem>>)
    %dma_start3A_138 = arith.constant 7 : i32
    %dma_start3A_139 = arith.constant 7 : i32
    %dma_start3A_140 = arith.constant 0 : i32
    %dma_start3A_141 = arith.constant 0 : i32
    %dma_start3A_142 = tpu.memref_slice %arg6[%dma_start3A_139, %dma_start3A_140, %dma_start3A_141] : memref<8x64x128xf32, #tpu.memory_space<vmem>> -> memref<1x64x128xf32, #tpu.memory_space<vmem>>
    %dma_start3A_143 = tpu.memref_squeeze %dma_start3A_142 : memref<1x64x128xf32, #tpu.memory_space<vmem>> -> memref<64x128xf32, #tpu.memory_space<vmem>>
    %dma_start3A_144 = arith.constant 0 : i32
    %dma_start3A_145 = tpu.memref_slice %arg5[%dma_start3A_138, %dma_start3A_144] : memref<8x64xi32, #tpu.memory_space<vmem>> -> memref<1x64xi32, #tpu.memory_space<vmem>>
    %dma_start3A_146 = tpu.memref_squeeze %dma_start3A_145 : memref<1x64xi32, #tpu.memory_space<vmem>> -> memref<64xi32, #tpu.memory_space<vmem>>
    %dma_start3A_147 = arith.constant 0 : i32
    %dma_start3A_148 = arith.constant 0 : i32
    %dma_start3A_149 = tpu.memref_slice %arg7[%dma_start3A_147, %dma_start3A_148] : memref<1000x128xf32, #tpu.memory_space<vmem_shared>> -> memref<1000x128xf32, #tpu.memory_space<vmem_shared>>
    tpu.enqueue_indirect_dma source(%dma_start3A_149 : memref<1000x128xf32, #tpu.memory_space<vmem_shared>>) target(%dma_start3A_143 : memref<64x128xf32, #tpu.memory_space<vmem>>) offsets(%dma_start3A_146 : memref<64xi32, #tpu.memory_space<vmem>>) semaphore(%arg15 : memref<!tpu.dma_semaphore, #tpu.memory_space<semaphore_mem>>)
    %dma_wait3A_150 = arith.constant 0 : i32
    %dma_wait3A_151 = arith.constant 0 : i32
    %dma_wait3A_152 = arith.constant 0 : i32
    %dma_wait3A_153 = arith.constant 0 : i32
    %dma_wait3A_154 = tpu.memref_slice %arg6[%dma_wait3A_151, %dma_wait3A_152, %dma_wait3A_153] : memref<8x64x128xf32, #tpu.memory_space<vmem>> -> memref<1x64x128xf32, #tpu.memory_space<vmem>>
    %dma_wait3A_155 = tpu.memref_squeeze %dma_wait3A_154 : memref<1x64x128xf32, #tpu.memory_space<vmem>> -> memref<64x128xf32, #tpu.memory_space<vmem>>
    %dma_wait3A_156 = arith.constant 0 : i32
    %dma_wait3A_157 = tpu.memref_slice %arg5[%dma_wait3A_150, %dma_wait3A_156] : memref<8x64xi32, #tpu.memory_space<vmem>> -> memref<1x64xi32, #tpu.memory_space<vmem>>
    %dma_wait3A_158 = tpu.memref_squeeze %dma_wait3A_157 : memref<1x64xi32, #tpu.memory_space<vmem>> -> memref<64xi32, #tpu.memory_space<vmem>>
    %dma_wait3A_159 = arith.constant 0 : i32
    %dma_wait3A_160 = arith.constant 0 : i32
    %dma_wait3A_161 = tpu.memref_slice %arg7[%dma_wait3A_159, %dma_wait3A_160] : memref<1000x128xf32, #tpu.memory_space<vmem_shared>> -> memref<1000x128xf32, #tpu.memory_space<vmem_shared>>
    tpu.wait_indirect_dma semaphore(%arg8 : memref<!tpu.dma_semaphore, #tpu.memory_space<semaphore_mem>>) src(%dma_wait3A_161 : memref<1000x128xf32, #tpu.memory_space<vmem_shared>>) dst(%dma_wait3A_155 : memref<64x128xf32, #tpu.memory_space<vmem>>)
    %add3A_162 = arith.constant 0 : i32
    %add3A_163 = arith.addi %mul3A_2, %add3A_162 : i32
    %dma_start3A_164 = arith.constant 0 : i32
    %dma_start3A_165 = arith.constant 0 : i32
    %dma_start3A_166 = arith.constant 0 : i32
    %dma_start3A_167 = tpu.memref_slice %arg6[%dma_start3A_164, %dma_start3A_165, %dma_start3A_166] : memref<8x64x128xf32, #tpu.memory_space<vmem>> -> memref<1x64x128xf32, #tpu.memory_space<vmem>>
    %dma_start3A_168 = tpu.memref_squeeze %dma_start3A_167 : memref<1x64x128xf32, #tpu.memory_space<vmem>> -> memref<64x128xf32, #tpu.memory_space<vmem>>
    %dma_start3A_169 = arith.constant 0 : i32
    %dma_start3A_170 = tpu.memref_slice %arg4[%add3A_163, %dma_start3A_169] : memref<16384x128xf32, #tpu.memory_space<hbm>> -> memref<64x128xf32, #tpu.memory_space<hbm>>
    %dma_start3A_171 = arith.constant 0 : i32
    %dma_start3A_172 = tpu.memref_slice %arg4[%add3A_163, %dma_start3A_171] : memref<16384x128xf32, #tpu.memory_space<hbm>> -> memref<64x128xf32, #tpu.memory_space<hbm>>
    %dma_start3A_173 = arith.constant 0 : i32
    %dma_start3A_174 = arith.constant 0 : i32
    %dma_start3A_175 = tpu.memref_slice %arg6[%dma_start3A_164, %dma_start3A_173, %dma_start3A_174] : memref<8x64x128xf32, #tpu.memory_space<vmem>> -> memref<1x64x128xf32, #tpu.memory_space<vmem>>
    %dma_start3A_176 = tpu.memref_squeeze %dma_start3A_175 : memref<1x64x128xf32, #tpu.memory_space<vmem>> -> memref<64x128xf32, #tpu.memory_space<vmem>>
    tpu.enqueue_dma source(%dma_start3A_176 : memref<64x128xf32, #tpu.memory_space<vmem>>) target(%dma_start3A_172 : memref<64x128xf32, #tpu.memory_space<hbm>>) target_semaphore(%arg16 : memref<!tpu.dma_semaphore, #tpu.memory_space<semaphore_mem>>)
    %dma_wait3A_177 = arith.constant 1 : i32
    %dma_wait3A_178 = arith.constant 1 : i32
    %dma_wait3A_179 = arith.constant 0 : i32
    %dma_wait3A_180 = arith.constant 0 : i32
    %dma_wait3A_181 = tpu.memref_slice %arg6[%dma_wait3A_178, %dma_wait3A_179, %dma_wait3A_180] : memref<8x64x128xf32, #tpu.memory_space<vmem>> -> memref<1x64x128xf32, #tpu.memory_space<vmem>>
    %dma_wait3A_182 = tpu.memref_squeeze %dma_wait3A_181 : memref<1x64x128xf32, #tpu.memory_space<vmem>> -> memref<64x128xf32, #tpu.memory_space<vmem>>
    %dma_wait3A_183 = arith.constant 0 : i32
    %dma_wait3A_184 = tpu.memref_slice %arg5[%dma_wait3A_177, %dma_wait3A_183] : memref<8x64xi32, #tpu.memory_space<vmem>> -> memref<1x64xi32, #tpu.memory_space<vmem>>
    %dma_wait3A_185 = tpu.memref_squeeze %dma_wait3A_184 : memref<1x64xi32, #tpu.memory_space<vmem>> -> memref<64xi32, #tpu.memory_space<vmem>>
    %dma_wait3A_186 = arith.constant 0 : i32
    %dma_wait3A_187 = arith.constant 0 : i32
    %dma_wait3A_188 = tpu.memref_slice %arg7[%dma_wait3A_186, %dma_wait3A_187] : memref<1000x128xf32, #tpu.memory_space<vmem_shared>> -> memref<1000x128xf32, #tpu.memory_space<vmem_shared>>
    tpu.wait_indirect_dma semaphore(%arg9 : memref<!tpu.dma_semaphore, #tpu.memory_space<semaphore_mem>>) src(%dma_wait3A_188 : memref<1000x128xf32, #tpu.memory_space<vmem_shared>>) dst(%dma_wait3A_182 : memref<64x128xf32, #tpu.memory_space<vmem>>)
    %add3A_189 = arith.constant 64 : i32
    %add3A_190 = arith.addi %mul3A_2, %add3A_189 : i32
    %dma_start3A_191 = arith.constant 1 : i32
    %dma_start3A_192 = arith.constant 0 : i32
    %dma_start3A_193 = arith.constant 0 : i32
    %dma_start3A_194 = tpu.memref_slice %arg6[%dma_start3A_191, %dma_start3A_192, %dma_start3A_193] : memref<8x64x128xf32, #tpu.memory_space<vmem>> -> memref<1x64x128xf32, #tpu.memory_space<vmem>>
    %dma_start3A_195 = tpu.memref_squeeze %dma_start3A_194 : memref<1x64x128xf32, #tpu.memory_space<vmem>> -> memref<64x128xf32, #tpu.memory_space<vmem>>
    %dma_start3A_196 = arith.constant 0 : i32
    %dma_start3A_197 = tpu.memref_slice %arg4[%add3A_190, %dma_start3A_196] : memref<16384x128xf32, #tpu.memory_space<hbm>> -> memref<64x128xf32, #tpu.memory_space<hbm>>
    %dma_start3A_198 = arith.constant 0 : i32
    %dma_start3A_199 = tpu.memref_slice %arg4[%add3A_190, %dma_start3A_198] : memref<16384x128xf32, #tpu.memory_space<hbm>> -> memref<64x128xf32, #tpu.memory_space<hbm>>
    %dma_start3A_200 = arith.constant 0 : i32
    %dma_start3A_201 = arith.constant 0 : i32
    %dma_start3A_202 = tpu.memref_slice %arg6[%dma_start3A_191, %dma_start3A_200, %dma_start3A_201] : memref<8x64x128xf32, #tpu.memory_space<vmem>> -> memref<1x64x128xf32, #tpu.memory_space<vmem>>
    %dma_start3A_203 = tpu.memref_squeeze %dma_start3A_202 : memref<1x64x128xf32, #tpu.memory_space<vmem>> -> memref<64x128xf32, #tpu.memory_space<vmem>>
    tpu.enqueue_dma source(%dma_start3A_203 : memref<64x128xf32, #tpu.memory_space<vmem>>) target(%dma_start3A_199 : memref<64x128xf32, #tpu.memory_space<hbm>>) target_semaphore(%arg16 : memref<!tpu.dma_semaphore, #tpu.memory_space<semaphore_mem>>)
    %dma_wait3A_204 = arith.constant 2 : i32
    %dma_wait3A_205 = arith.constant 2 : i32
    %dma_wait3A_206 = arith.constant 0 : i32
    %dma_wait3A_207 = arith.constant 0 : i32
    %dma_wait3A_208 = tpu.memref_slice %arg6[%dma_wait3A_205, %dma_wait3A_206, %dma_wait3A_207] : memref<8x64x128xf32, #tpu.memory_space<vmem>> -> memref<1x64x128xf32, #tpu.memory_space<vmem>>
    %dma_wait3A_209 = tpu.memref_squeeze %dma_wait3A_208 : memref<1x64x128xf32, #tpu.memory_space<vmem>> -> memref<64x128xf32, #tpu.memory_space<vmem>>
    %dma_wait3A_210 = arith.constant 0 : i32
    %dma_wait3A_211 = tpu.memref_slice %arg5[%dma_wait3A_204, %dma_wait3A_210] : memref<8x64xi32, #tpu.memory_space<vmem>> -> memref<1x64xi32, #tpu.memory_space<vmem>>
    %dma_wait3A_212 = tpu.memref_squeeze %dma_wait3A_211 : memref<1x64xi32, #tpu.memory_space<vmem>> -> memref<64xi32, #tpu.memory_space<vmem>>
    %dma_wait3A_213 = arith.constant 0 : i32
    %dma_wait3A_214 = arith.constant 0 : i32
    %dma_wait3A_215 = tpu.memref_slice %arg7[%dma_wait3A_213, %dma_wait3A_214] : memref<1000x128xf32, #tpu.memory_space<vmem_shared>> -> memref<1000x128xf32, #tpu.memory_space<vmem_shared>>
    tpu.wait_indirect_dma semaphore(%arg10 : memref<!tpu.dma_semaphore, #tpu.memory_space<semaphore_mem>>) src(%dma_wait3A_215 : memref<1000x128xf32, #tpu.memory_space<vmem_shared>>) dst(%dma_wait3A_209 : memref<64x128xf32, #tpu.memory_space<vmem>>)
    %add3A_216 = arith.constant 128 : i32
    %add3A_217 = arith.addi %mul3A_2, %add3A_216 : i32
    %dma_start3A_218 = arith.constant 2 : i32
    %dma_start3A_219 = arith.constant 0 : i32
    %dma_start3A_220 = arith.constant 0 : i32
    %dma_start3A_221 = tpu.memref_slice %arg6[%dma_start3A_218, %dma_start3A_219, %dma_start3A_220] : memref<8x64x128xf32, #tpu.memory_space<vmem>> -> memref<1x64x128xf32, #tpu.memory_space<vmem>>
    %dma_start3A_222 = tpu.memref_squeeze %dma_start3A_221 : memref<1x64x128xf32, #tpu.memory_space<vmem>> -> memref<64x128xf32, #tpu.memory_space<vmem>>
    %dma_start3A_223 = arith.constant 0 : i32
    %dma_start3A_224 = tpu.memref_slice %arg4[%add3A_217, %dma_start3A_223] : memref<16384x128xf32, #tpu.memory_space<hbm>> -> memref<64x128xf32, #tpu.memory_space<hbm>>
    %dma_start3A_225 = arith.constant 0 : i32
    %dma_start3A_226 = tpu.memref_slice %arg4[%add3A_217, %dma_start3A_225] : memref<16384x128xf32, #tpu.memory_space<hbm>> -> memref<64x128xf32, #tpu.memory_space<hbm>>
    %dma_start3A_227 = arith.constant 0 : i32
    %dma_start3A_228 = arith.constant 0 : i32
    %dma_start3A_229 = tpu.memref_slice %arg6[%dma_start3A_218, %dma_start3A_227, %dma_start3A_228] : memref<8x64x128xf32, #tpu.memory_space<vmem>> -> memref<1x64x128xf32, #tpu.memory_space<vmem>>
    %dma_start3A_230 = tpu.memref_squeeze %dma_start3A_229 : memref<1x64x128xf32, #tpu.memory_space<vmem>> -> memref<64x128xf32, #tpu.memory_space<vmem>>
    tpu.enqueue_dma source(%dma_start3A_230 : memref<64x128xf32, #tpu.memory_space<vmem>>) target(%dma_start3A_226 : memref<64x128xf32, #tpu.memory_space<hbm>>) target_semaphore(%arg16 : memref<!tpu.dma_semaphore, #tpu.memory_space<semaphore_mem>>)
    %dma_wait3A_231 = arith.constant 3 : i32
    %dma_wait3A_232 = arith.constant 3 : i32
    %dma_wait3A_233 = arith.constant 0 : i32
    %dma_wait3A_234 = arith.constant 0 : i32
    %dma_wait3A_235 = tpu.memref_slice %arg6[%dma_wait3A_232, %dma_wait3A_233, %dma_wait3A_234] : memref<8x64x128xf32, #tpu.memory_space<vmem>> -> memref<1x64x128xf32, #tpu.memory_space<vmem>>
    %dma_wait3A_236 = tpu.memref_squeeze %dma_wait3A_235 : memref<1x64x128xf32, #tpu.memory_space<vmem>> -> memref<64x128xf32, #tpu.memory_space<vmem>>
    %dma_wait3A_237 = arith.constant 0 : i32
    %dma_wait3A_238 = tpu.memref_slice %arg5[%dma_wait3A_231, %dma_wait3A_237] : memref<8x64xi32, #tpu.memory_space<vmem>> -> memref<1x64xi32, #tpu.memory_space<vmem>>
    %dma_wait3A_239 = tpu.memref_squeeze %dma_wait3A_238 : memref<1x64xi32, #tpu.memory_space<vmem>> -> memref<64xi32, #tpu.memory_space<vmem>>
    %dma_wait3A_240 = arith.constant 0 : i32
    %dma_wait3A_241 = arith.constant 0 : i32
    %dma_wait3A_242 = tpu.memref_slice %arg7[%dma_wait3A_240, %dma_wait3A_241] : memref<1000x128xf32, #tpu.memory_space<vmem_shared>> -> memref<1000x128xf32, #tpu.memory_space<vmem_shared>>
    tpu.wait_indirect_dma semaphore(%arg11 : memref<!tpu.dma_semaphore, #tpu.memory_space<semaphore_mem>>) src(%dma_wait3A_242 : memref<1000x128xf32, #tpu.memory_space<vmem_shared>>) dst(%dma_wait3A_236 : memref<64x128xf32, #tpu.memory_space<vmem>>)
    %add3A_243 = arith.constant 192 : i32
    %add3A_244 = arith.addi %mul3A_2, %add3A_243 : i32
    %dma_start3A_245 = arith.constant 3 : i32
    %dma_start3A_246 = arith.constant 0 : i32
    %dma_start3A_247 = arith.constant 0 : i32
    %dma_start3A_248 = tpu.memref_slice %arg6[%dma_start3A_245, %dma_start3A_246, %dma_start3A_247] : memref<8x64x128xf32, #tpu.memory_space<vmem>> -> memref<1x64x128xf32, #tpu.memory_space<vmem>>
    %dma_start3A_249 = tpu.memref_squeeze %dma_start3A_248 : memref<1x64x128xf32, #tpu.memory_space<vmem>> -> memref<64x128xf32, #tpu.memory_space<vmem>>
    %dma_start3A_250 = arith.constant 0 : i32
    %dma_start3A_251 = tpu.memref_slice %arg4[%add3A_244, %dma_start3A_250] : memref<16384x128xf32, #tpu.memory_space<hbm>> -> memref<64x128xf32, #tpu.memory_space<hbm>>
    %dma_start3A_252 = arith.constant 0 : i32
    %dma_start3A_253 = tpu.memref_slice %arg4[%add3A_244, %dma_start3A_252] : memref<16384x128xf32, #tpu.memory_space<hbm>> -> memref<64x128xf32, #tpu.memory_space<hbm>>
    %dma_start3A_254 = arith.constant 0 : i32
    %dma_start3A_255 = arith.constant 0 : i32
    %dma_start3A_256 = tpu.memref_slice %arg6[%dma_start3A_245, %dma_start3A_254, %dma_start3A_255] : memref<8x64x128xf32, #tpu.memory_space<vmem>> -> memref<1x64x128xf32, #tpu.memory_space<vmem>>
    %dma_start3A_257 = tpu.memref_squeeze %dma_start3A_256 : memref<1x64x128xf32, #tpu.memory_space<vmem>> -> memref<64x128xf32, #tpu.memory_space<vmem>>
    tpu.enqueue_dma source(%dma_start3A_257 : memref<64x128xf32, #tpu.memory_space<vmem>>) target(%dma_start3A_253 : memref<64x128xf32, #tpu.memory_space<hbm>>) target_semaphore(%arg16 : memref<!tpu.dma_semaphore, #tpu.memory_space<semaphore_mem>>)
    %dma_wait3A_258 = arith.constant 4 : i32
    %dma_wait3A_259 = arith.constant 4 : i32
    %dma_wait3A_260 = arith.constant 0 : i32
    %dma_wait3A_261 = arith.constant 0 : i32
    %dma_wait3A_262 = tpu.memref_slice %arg6[%dma_wait3A_259, %dma_wait3A_260, %dma_wait3A_261] : memref<8x64x128xf32, #tpu.memory_space<vmem>> -> memref<1x64x128xf32, #tpu.memory_space<vmem>>
    %dma_wait3A_263 = tpu.memref_squeeze %dma_wait3A_262 : memref<1x64x128xf32, #tpu.memory_space<vmem>> -> memref<64x128xf32, #tpu.memory_space<vmem>>
    %dma_wait3A_264 = arith.constant 0 : i32
    %dma_wait3A_265 = tpu.memref_slice %arg5[%dma_wait3A_258, %dma_wait3A_264] : memref<8x64xi32, #tpu.memory_space<vmem>> -> memref<1x64xi32, #tpu.memory_space<vmem>>
    %dma_wait3A_266 = tpu.memref_squeeze %dma_wait3A_265 : memref<1x64xi32, #tpu.memory_space<vmem>> -> memref<64xi32, #tpu.memory_space<vmem>>
    %dma_wait3A_267 = arith.constant 0 : i32
    %dma_wait3A_268 = arith.constant 0 : i32
    %dma_wait3A_269 = tpu.memref_slice %arg7[%dma_wait3A_267, %dma_wait3A_268] : memref<1000x128xf32, #tpu.memory_space<vmem_shared>> -> memref<1000x128xf32, #tpu.memory_space<vmem_shared>>
    tpu.wait_indirect_dma semaphore(%arg12 : memref<!tpu.dma_semaphore, #tpu.memory_space<semaphore_mem>>) src(%dma_wait3A_269 : memref<1000x128xf32, #tpu.memory_space<vmem_shared>>) dst(%dma_wait3A_263 : memref<64x128xf32, #tpu.memory_space<vmem>>)
    %add3A_270 = arith.constant 256 : i32
    %add3A_271 = arith.addi %mul3A_2, %add3A_270 : i32
    %dma_start3A_272 = arith.constant 4 : i32
    %dma_start3A_273 = arith.constant 0 : i32
    %dma_start3A_274 = arith.constant 0 : i32
    %dma_start3A_275 = tpu.memref_slice %arg6[%dma_start3A_272, %dma_start3A_273, %dma_start3A_274] : memref<8x64x128xf32, #tpu.memory_space<vmem>> -> memref<1x64x128xf32, #tpu.memory_space<vmem>>
    %dma_start3A_276 = tpu.memref_squeeze %dma_start3A_275 : memref<1x64x128xf32, #tpu.memory_space<vmem>> -> memref<64x128xf32, #tpu.memory_space<vmem>>
    %dma_start3A_277 = arith.constant 0 : i32
    %dma_start3A_278 = tpu.memref_slice %arg4[%add3A_271, %dma_start3A_277] : memref<16384x128xf32, #tpu.memory_space<hbm>> -> memref<64x128xf32, #tpu.memory_space<hbm>>
    %dma_start3A_279 = arith.constant 0 : i32
    %dma_start3A_280 = tpu.memref_slice %arg4[%add3A_271, %dma_start3A_279] : memref<16384x128xf32, #tpu.memory_space<hbm>> -> memref<64x128xf32, #tpu.memory_space<hbm>>
    %dma_start3A_281 = arith.constant 0 : i32
    %dma_start3A_282 = arith.constant 0 : i32
    %dma_start3A_283 = tpu.memref_slice %arg6[%dma_start3A_272, %dma_start3A_281, %dma_start3A_282] : memref<8x64x128xf32, #tpu.memory_space<vmem>> -> memref<1x64x128xf32, #tpu.memory_space<vmem>>
    %dma_start3A_284 = tpu.memref_squeeze %dma_start3A_283 : memref<1x64x128xf32, #tpu.memory_space<vmem>> -> memref<64x128xf32, #tpu.memory_space<vmem>>
    tpu.enqueue_dma source(%dma_start3A_284 : memref<64x128xf32, #tpu.memory_space<vmem>>) target(%dma_start3A_280 : memref<64x128xf32, #tpu.memory_space<hbm>>) target_semaphore(%arg16 : memref<!tpu.dma_semaphore, #tpu.memory_space<semaphore_mem>>)
    %dma_wait3A_285 = arith.constant 5 : i32
    %dma_wait3A_286 = arith.constant 5 : i32
    %dma_wait3A_287 = arith.constant 0 : i32
    %dma_wait3A_288 = arith.constant 0 : i32
    %dma_wait3A_289 = tpu.memref_slice %arg6[%dma_wait3A_286, %dma_wait3A_287, %dma_wait3A_288] : memref<8x64x128xf32, #tpu.memory_space<vmem>> -> memref<1x64x128xf32, #tpu.memory_space<vmem>>
    %dma_wait3A_290 = tpu.memref_squeeze %dma_wait3A_289 : memref<1x64x128xf32, #tpu.memory_space<vmem>> -> memref<64x128xf32, #tpu.memory_space<vmem>>
    %dma_wait3A_291 = arith.constant 0 : i32
    %dma_wait3A_292 = tpu.memref_slice %arg5[%dma_wait3A_285, %dma_wait3A_291] : memref<8x64xi32, #tpu.memory_space<vmem>> -> memref<1x64xi32, #tpu.memory_space<vmem>>
    %dma_wait3A_293 = tpu.memref_squeeze %dma_wait3A_292 : memref<1x64xi32, #tpu.memory_space<vmem>> -> memref<64xi32, #tpu.memory_space<vmem>>
    %dma_wait3A_294 = arith.constant 0 : i32
    %dma_wait3A_295 = arith.constant 0 : i32
    %dma_wait3A_296 = tpu.memref_slice %arg7[%dma_wait3A_294, %dma_wait3A_295] : memref<1000x128xf32, #tpu.memory_space<vmem_shared>> -> memref<1000x128xf32, #tpu.memory_space<vmem_shared>>
    tpu.wait_indirect_dma semaphore(%arg13 : memref<!tpu.dma_semaphore, #tpu.memory_space<semaphore_mem>>) src(%dma_wait3A_296 : memref<1000x128xf32, #tpu.memory_space<vmem_shared>>) dst(%dma_wait3A_290 : memref<64x128xf32, #tpu.memory_space<vmem>>)
    %add3A_297 = arith.constant 320 : i32
    %add3A_298 = arith.addi %mul3A_2, %add3A_297 : i32
    %dma_start3A_299 = arith.constant 5 : i32
    %dma_start3A_300 = arith.constant 0 : i32
    %dma_start3A_301 = arith.constant 0 : i32
    %dma_start3A_302 = tpu.memref_slice %arg6[%dma_start3A_299, %dma_start3A_300, %dma_start3A_301] : memref<8x64x128xf32, #tpu.memory_space<vmem>> -> memref<1x64x128xf32, #tpu.memory_space<vmem>>
    %dma_start3A_303 = tpu.memref_squeeze %dma_start3A_302 : memref<1x64x128xf32, #tpu.memory_space<vmem>> -> memref<64x128xf32, #tpu.memory_space<vmem>>
    %dma_start3A_304 = arith.constant 0 : i32
    %dma_start3A_305 = tpu.memref_slice %arg4[%add3A_298, %dma_start3A_304] : memref<16384x128xf32, #tpu.memory_space<hbm>> -> memref<64x128xf32, #tpu.memory_space<hbm>>
    %dma_start3A_306 = arith.constant 0 : i32
    %dma_start3A_307 = tpu.memref_slice %arg4[%add3A_298, %dma_start3A_306] : memref<16384x128xf32, #tpu.memory_space<hbm>> -> memref<64x128xf32, #tpu.memory_space<hbm>>
    %dma_start3A_308 = arith.constant 0 : i32
    %dma_start3A_309 = arith.constant 0 : i32
    %dma_start3A_310 = tpu.memref_slice %arg6[%dma_start3A_299, %dma_start3A_308, %dma_start3A_309] : memref<8x64x128xf32, #tpu.memory_space<vmem>> -> memref<1x64x128xf32, #tpu.memory_space<vmem>>
    %dma_start3A_311 = tpu.memref_squeeze %dma_start3A_310 : memref<1x64x128xf32, #tpu.memory_space<vmem>> -> memref<64x128xf32, #tpu.memory_space<vmem>>
    tpu.enqueue_dma source(%dma_start3A_311 : memref<64x128xf32, #tpu.memory_space<vmem>>) target(%dma_start3A_307 : memref<64x128xf32, #tpu.memory_space<hbm>>) target_semaphore(%arg16 : memref<!tpu.dma_semaphore, #tpu.memory_space<semaphore_mem>>)
    %dma_wait3A_312 = arith.constant 6 : i32
    %dma_wait3A_313 = arith.constant 6 : i32
    %dma_wait3A_314 = arith.constant 0 : i32
    %dma_wait3A_315 = arith.constant 0 : i32
    %dma_wait3A_316 = tpu.memref_slice %arg6[%dma_wait3A_313, %dma_wait3A_314, %dma_wait3A_315] : memref<8x64x128xf32, #tpu.memory_space<vmem>> -> memref<1x64x128xf32, #tpu.memory_space<vmem>>
    %dma_wait3A_317 = tpu.memref_squeeze %dma_wait3A_316 : memref<1x64x128xf32, #tpu.memory_space<vmem>> -> memref<64x128xf32, #tpu.memory_space<vmem>>
    %dma_wait3A_318 = arith.constant 0 : i32
    %dma_wait3A_319 = tpu.memref_slice %arg5[%dma_wait3A_312, %dma_wait3A_318] : memref<8x64xi32, #tpu.memory_space<vmem>> -> memref<1x64xi32, #tpu.memory_space<vmem>>
    %dma_wait3A_320 = tpu.memref_squeeze %dma_wait3A_319 : memref<1x64xi32, #tpu.memory_space<vmem>> -> memref<64xi32, #tpu.memory_space<vmem>>
    %dma_wait3A_321 = arith.constant 0 : i32
    %dma_wait3A_322 = arith.constant 0 : i32
    %dma_wait3A_323 = tpu.memref_slice %arg7[%dma_wait3A_321, %dma_wait3A_322] : memref<1000x128xf32, #tpu.memory_space<vmem_shared>> -> memref<1000x128xf32, #tpu.memory_space<vmem_shared>>
    tpu.wait_indirect_dma semaphore(%arg14 : memref<!tpu.dma_semaphore, #tpu.memory_space<semaphore_mem>>) src(%dma_wait3A_323 : memref<1000x128xf32, #tpu.memory_space<vmem_shared>>) dst(%dma_wait3A_317 : memref<64x128xf32, #tpu.memory_space<vmem>>)
    %add3A_324 = arith.constant 384 : i32
    %add3A_325 = arith.addi %mul3A_2, %add3A_324 : i32
    %dma_start3A_326 = arith.constant 6 : i32
    %dma_start3A_327 = arith.constant 0 : i32
    %dma_start3A_328 = arith.constant 0 : i32
    %dma_start3A_329 = tpu.memref_slice %arg6[%dma_start3A_326, %dma_start3A_327, %dma_start3A_328] : memref<8x64x128xf32, #tpu.memory_space<vmem>> -> memref<1x64x128xf32, #tpu.memory_space<vmem>>
    %dma_start3A_330 = tpu.memref_squeeze %dma_start3A_329 : memref<1x64x128xf32, #tpu.memory_space<vmem>> -> memref<64x128xf32, #tpu.memory_space<vmem>>
    %dma_start3A_331 = arith.constant 0 : i32
    %dma_start3A_332 = tpu.memref_slice %arg4[%add3A_325, %dma_start3A_331] : memref<16384x128xf32, #tpu.memory_space<hbm>> -> memref<64x128xf32, #tpu.memory_space<hbm>>
    %dma_start3A_333 = arith.constant 0 : i32
    %dma_start3A_334 = tpu.memref_slice %arg4[%add3A_325, %dma_start3A_333] : memref<16384x128xf32, #tpu.memory_space<hbm>> -> memref<64x128xf32, #tpu.memory_space<hbm>>
    %dma_start3A_335 = arith.constant 0 : i32
    %dma_start3A_336 = arith.constant 0 : i32
    %dma_start3A_337 = tpu.memref_slice %arg6[%dma_start3A_326, %dma_start3A_335, %dma_start3A_336] : memref<8x64x128xf32, #tpu.memory_space<vmem>> -> memref<1x64x128xf32, #tpu.memory_space<vmem>>
    %dma_start3A_338 = tpu.memref_squeeze %dma_start3A_337 : memref<1x64x128xf32, #tpu.memory_space<vmem>> -> memref<64x128xf32, #tpu.memory_space<vmem>>
    tpu.enqueue_dma source(%dma_start3A_338 : memref<64x128xf32, #tpu.memory_space<vmem>>) target(%dma_start3A_334 : memref<64x128xf32, #tpu.memory_space<hbm>>) target_semaphore(%arg16 : memref<!tpu.dma_semaphore, #tpu.memory_space<semaphore_mem>>)
    %dma_wait3A_339 = arith.constant 7 : i32
    %dma_wait3A_340 = arith.constant 7 : i32
    %dma_wait3A_341 = arith.constant 0 : i32
    %dma_wait3A_342 = arith.constant 0 : i32
    %dma_wait3A_343 = tpu.memref_slice %arg6[%dma_wait3A_340, %dma_wait3A_341, %dma_wait3A_342] : memref<8x64x128xf32, #tpu.memory_space<vmem>> -> memref<1x64x128xf32, #tpu.memory_space<vmem>>
    %dma_wait3A_344 = tpu.memref_squeeze %dma_wait3A_343 : memref<1x64x128xf32, #tpu.memory_space<vmem>> -> memref<64x128xf32, #tpu.memory_space<vmem>>
    %dma_wait3A_345 = arith.constant 0 : i32
    %dma_wait3A_346 = tpu.memref_slice %arg5[%dma_wait3A_339, %dma_wait3A_345] : memref<8x64xi32, #tpu.memory_space<vmem>> -> memref<1x64xi32, #tpu.memory_space<vmem>>
    %dma_wait3A_347 = tpu.memref_squeeze %dma_wait3A_346 : memref<1x64xi32, #tpu.memory_space<vmem>> -> memref<64xi32, #tpu.memory_space<vmem>>
    %dma_wait3A_348 = arith.constant 0 : i32
    %dma_wait3A_349 = arith.constant 0 : i32
    %dma_wait3A_350 = tpu.memref_slice %arg7[%dma_wait3A_348, %dma_wait3A_349] : memref<1000x128xf32, #tpu.memory_space<vmem_shared>> -> memref<1000x128xf32, #tpu.memory_space<vmem_shared>>
    tpu.wait_indirect_dma semaphore(%arg15 : memref<!tpu.dma_semaphore, #tpu.memory_space<semaphore_mem>>) src(%dma_wait3A_350 : memref<1000x128xf32, #tpu.memory_space<vmem_shared>>) dst(%dma_wait3A_344 : memref<64x128xf32, #tpu.memory_space<vmem>>)
    %add3A_351 = arith.constant 448 : i32
    %add3A_352 = arith.addi %mul3A_2, %add3A_351 : i32
    %dma_start3A_353 = arith.constant 7 : i32
    %dma_start3A_354 = arith.constant 0 : i32
    %dma_start3A_355 = arith.constant 0 : i32
    %dma_start3A_356 = tpu.memref_slice %arg6[%dma_start3A_353, %dma_start3A_354, %dma_start3A_355] : memref<8x64x128xf32, #tpu.memory_space<vmem>> -> memref<1x64x128xf32, #tpu.memory_space<vmem>>
    %dma_start3A_357 = tpu.memref_squeeze %dma_start3A_356 : memref<1x64x128xf32, #tpu.memory_space<vmem>> -> memref<64x128xf32, #tpu.memory_space<vmem>>
    %dma_start3A_358 = arith.constant 0 : i32
    %dma_start3A_359 = tpu.memref_slice %arg4[%add3A_352, %dma_start3A_358] : memref<16384x128xf32, #tpu.memory_space<hbm>> -> memref<64x128xf32, #tpu.memory_space<hbm>>
    %dma_start3A_360 = arith.constant 0 : i32
    %dma_start3A_361 = tpu.memref_slice %arg4[%add3A_352, %dma_start3A_360] : memref<16384x128xf32, #tpu.memory_space<hbm>> -> memref<64x128xf32, #tpu.memory_space<hbm>>
    %dma_start3A_362 = arith.constant 0 : i32
    %dma_start3A_363 = arith.constant 0 : i32
    %dma_start3A_364 = tpu.memref_slice %arg6[%dma_start3A_353, %dma_start3A_362, %dma_start3A_363] : memref<8x64x128xf32, #tpu.memory_space<vmem>> -> memref<1x64x128xf32, #tpu.memory_space<vmem>>
    %dma_start3A_365 = tpu.memref_squeeze %dma_start3A_364 : memref<1x64x128xf32, #tpu.memory_space<vmem>> -> memref<64x128xf32, #tpu.memory_space<vmem>>
    tpu.enqueue_dma source(%dma_start3A_365 : memref<64x128xf32, #tpu.memory_space<vmem>>) target(%dma_start3A_361 : memref<64x128xf32, #tpu.memory_space<hbm>>) target_semaphore(%arg16 : memref<!tpu.dma_semaphore, #tpu.memory_space<semaphore_mem>>)
    %dma_wait3A_366 = arith.constant 0 : i32
    %dma_wait3A_367 = arith.constant 0 : i32
    %dma_wait3A_368 = arith.constant 0 : i32
    %dma_wait3A_369 = tpu.memref_slice %arg6[%dma_wait3A_366, %dma_wait3A_367, %dma_wait3A_368] : memref<8x64x128xf32, #tpu.memory_space<vmem>> -> memref<1x64x128xf32, #tpu.memory_space<vmem>>
    %dma_wait3A_370 = tpu.memref_squeeze %dma_wait3A_369 : memref<1x64x128xf32, #tpu.memory_space<vmem>> -> memref<64x128xf32, #tpu.memory_space<vmem>>
    %dma_wait3A_371 = arith.constant 0 : i32
    %dma_wait3A_372 = tpu.memref_slice %arg4[%add3A_163, %dma_wait3A_371] : memref<16384x128xf32, #tpu.memory_space<hbm>> -> memref<64x128xf32, #tpu.memory_space<hbm>>
    %dma_wait3A_373 = arith.constant 0 : i32
    %dma_wait3A_374 = tpu.memref_slice %arg4[%add3A_163, %dma_wait3A_373] : memref<16384x128xf32, #tpu.memory_space<hbm>> -> memref<64x128xf32, #tpu.memory_space<hbm>>
    %dma_wait3A_375 = arith.constant 0 : i32
    %dma_wait3A_376 = arith.constant 0 : i32
    %dma_wait3A_377 = tpu.memref_slice %arg6[%dma_wait3A_366, %dma_wait3A_375, %dma_wait3A_376] : memref<8x64x128xf32, #tpu.memory_space<vmem>> -> memref<1x64x128xf32, #tpu.memory_space<vmem>>
    %dma_wait3A_378 = tpu.memref_squeeze %dma_wait3A_377 : memref<1x64x128xf32, #tpu.memory_space<vmem>> -> memref<64x128xf32, #tpu.memory_space<vmem>>
    tpu.wait_dma2 semaphore(%arg16 : memref<!tpu.dma_semaphore, #tpu.memory_space<semaphore_mem>>) src(%dma_wait3A_378 : memref<64x128xf32, #tpu.memory_space<vmem>>) dst(%dma_wait3A_374 : memref<64x128xf32, #tpu.memory_space<hbm>>)
    %dma_wait3A_379 = arith.constant 1 : i32
    %dma_wait3A_380 = arith.constant 0 : i32
    %dma_wait3A_381 = arith.constant 0 : i32
    %dma_wait3A_382 = tpu.memref_slice %arg6[%dma_wait3A_379, %dma_wait3A_380, %dma_wait3A_381] : memref<8x64x128xf32, #tpu.memory_space<vmem>> -> memref<1x64x128xf32, #tpu.memory_space<vmem>>
    %dma_wait3A_383 = tpu.memref_squeeze %dma_wait3A_382 : memref<1x64x128xf32, #tpu.memory_space<vmem>> -> memref<64x128xf32, #tpu.memory_space<vmem>>
    %dma_wait3A_384 = arith.constant 0 : i32
    %dma_wait3A_385 = tpu.memref_slice %arg4[%add3A_190, %dma_wait3A_384] : memref<16384x128xf32, #tpu.memory_space<hbm>> -> memref<64x128xf32, #tpu.memory_space<hbm>>
    %dma_wait3A_386 = arith.constant 0 : i32
    %dma_wait3A_387 = tpu.memref_slice %arg4[%add3A_190, %dma_wait3A_386] : memref<16384x128xf32, #tpu.memory_space<hbm>> -> memref<64x128xf32, #tpu.memory_space<hbm>>
    %dma_wait3A_388 = arith.constant 0 : i32
    %dma_wait3A_389 = arith.constant 0 : i32
    %dma_wait3A_390 = tpu.memref_slice %arg6[%dma_wait3A_379, %dma_wait3A_388, %dma_wait3A_389] : memref<8x64x128xf32, #tpu.memory_space<vmem>> -> memref<1x64x128xf32, #tpu.memory_space<vmem>>
    %dma_wait3A_391 = tpu.memref_squeeze %dma_wait3A_390 : memref<1x64x128xf32, #tpu.memory_space<vmem>> -> memref<64x128xf32, #tpu.memory_space<vmem>>
    tpu.wait_dma2 semaphore(%arg16 : memref<!tpu.dma_semaphore, #tpu.memory_space<semaphore_mem>>) src(%dma_wait3A_391 : memref<64x128xf32, #tpu.memory_space<vmem>>) dst(%dma_wait3A_387 : memref<64x128xf32, #tpu.memory_space<hbm>>)
    %dma_wait3A_392 = arith.constant 2 : i32
    %dma_wait3A_393 = arith.constant 0 : i32
    %dma_wait3A_394 = arith.constant 0 : i32
    %dma_wait3A_395 = tpu.memref_slice %arg6[%dma_wait3A_392, %dma_wait3A_393, %dma_wait3A_394] : memref<8x64x128xf32, #tpu.memory_space<vmem>> -> memref<1x64x128xf32, #tpu.memory_space<vmem>>
    %dma_wait3A_396 = tpu.memref_squeeze %dma_wait3A_395 : memref<1x64x128xf32, #tpu.memory_space<vmem>> -> memref<64x128xf32, #tpu.memory_space<vmem>>
    %dma_wait3A_397 = arith.constant 0 : i32
    %dma_wait3A_398 = tpu.memref_slice %arg4[%add3A_217, %dma_wait3A_397] : memref<16384x128xf32, #tpu.memory_space<hbm>> -> memref<64x128xf32, #tpu.memory_space<hbm>>
    %dma_wait3A_399 = arith.constant 0 : i32
    %dma_wait3A_400 = tpu.memref_slice %arg4[%add3A_217, %dma_wait3A_399] : memref<16384x128xf32, #tpu.memory_space<hbm>> -> memref<64x128xf32, #tpu.memory_space<hbm>>
    %dma_wait3A_401 = arith.constant 0 : i32
    %dma_wait3A_402 = arith.constant 0 : i32
    %dma_wait3A_403 = tpu.memref_slice %arg6[%dma_wait3A_392, %dma_wait3A_401, %dma_wait3A_402] : memref<8x64x128xf32, #tpu.memory_space<vmem>> -> memref<1x64x128xf32, #tpu.memory_space<vmem>>
    %dma_wait3A_404 = tpu.memref_squeeze %dma_wait3A_403 : memref<1x64x128xf32, #tpu.memory_space<vmem>> -> memref<64x128xf32, #tpu.memory_space<vmem>>
    tpu.wait_dma2 semaphore(%arg16 : memref<!tpu.dma_semaphore, #tpu.memory_space<semaphore_mem>>) src(%dma_wait3A_404 : memref<64x128xf32, #tpu.memory_space<vmem>>) dst(%dma_wait3A_400 : memref<64x128xf32, #tpu.memory_space<hbm>>)
    %dma_wait3A_405 = arith.constant 3 : i32
    %dma_wait3A_406 = arith.constant 0 : i32
    %dma_wait3A_407 = arith.constant 0 : i32
    %dma_wait3A_408 = tpu.memref_slice %arg6[%dma_wait3A_405, %dma_wait3A_406, %dma_wait3A_407] : memref<8x64x128xf32, #tpu.memory_space<vmem>> -> memref<1x64x128xf32, #tpu.memory_space<vmem>>
    %dma_wait3A_409 = tpu.memref_squeeze %dma_wait3A_408 : memref<1x64x128xf32, #tpu.memory_space<vmem>> -> memref<64x128xf32, #tpu.memory_space<vmem>>
    %dma_wait3A_410 = arith.constant 0 : i32
    %dma_wait3A_411 = tpu.memref_slice %arg4[%add3A_244, %dma_wait3A_410] : memref<16384x128xf32, #tpu.memory_space<hbm>> -> memref<64x128xf32, #tpu.memory_space<hbm>>
    %dma_wait3A_412 = arith.constant 0 : i32
    %dma_wait3A_413 = tpu.memref_slice %arg4[%add3A_244, %dma_wait3A_412] : memref<16384x128xf32, #tpu.memory_space<hbm>> -> memref<64x128xf32, #tpu.memory_space<hbm>>
    %dma_wait3A_414 = arith.constant 0 : i32
    %dma_wait3A_415 = arith.constant 0 : i32
    %dma_wait3A_416 = tpu.memref_slice %arg6[%dma_wait3A_405, %dma_wait3A_414, %dma_wait3A_415] : memref<8x64x128xf32, #tpu.memory_space<vmem>> -> memref<1x64x128xf32, #tpu.memory_space<vmem>>
    %dma_wait3A_417 = tpu.memref_squeeze %dma_wait3A_416 : memref<1x64x128xf32, #tpu.memory_space<vmem>> -> memref<64x128xf32, #tpu.memory_space<vmem>>
    tpu.wait_dma2 semaphore(%arg16 : memref<!tpu.dma_semaphore, #tpu.memory_space<semaphore_mem>>) src(%dma_wait3A_417 : memref<64x128xf32, #tpu.memory_space<vmem>>) dst(%dma_wait3A_413 : memref<64x128xf32, #tpu.memory_space<hbm>>)
    %dma_wait3A_418 = arith.constant 4 : i32
    %dma_wait3A_419 = arith.constant 0 : i32
    %dma_wait3A_420 = arith.constant 0 : i32
    %dma_wait3A_421 = tpu.memref_slice %arg6[%dma_wait3A_418, %dma_wait3A_419, %dma_wait3A_420] : memref<8x64x128xf32, #tpu.memory_space<vmem>> -> memref<1x64x128xf32, #tpu.memory_space<vmem>>
    %dma_wait3A_422 = tpu.memref_squeeze %dma_wait3A_421 : memref<1x64x128xf32, #tpu.memory_space<vmem>> -> memref<64x128xf32, #tpu.memory_space<vmem>>
    %dma_wait3A_423 = arith.constant 0 : i32
    %dma_wait3A_424 = tpu.memref_slice %arg4[%add3A_271, %dma_wait3A_423] : memref<16384x128xf32, #tpu.memory_space<hbm>> -> memref<64x128xf32, #tpu.memory_space<hbm>>
    %dma_wait3A_425 = arith.constant 0 : i32
    %dma_wait3A_426 = tpu.memref_slice %arg4[%add3A_271, %dma_wait3A_425] : memref<16384x128xf32, #tpu.memory_space<hbm>> -> memref<64x128xf32, #tpu.memory_space<hbm>>
    %dma_wait3A_427 = arith.constant 0 : i32
    %dma_wait3A_428 = arith.constant 0 : i32
    %dma_wait3A_429 = tpu.memref_slice %arg6[%dma_wait3A_418, %dma_wait3A_427, %dma_wait3A_428] : memref<8x64x128xf32, #tpu.memory_space<vmem>> -> memref<1x64x128xf32, #tpu.memory_space<vmem>>
    %dma_wait3A_430 = tpu.memref_squeeze %dma_wait3A_429 : memref<1x64x128xf32, #tpu.memory_space<vmem>> -> memref<64x128xf32, #tpu.memory_space<vmem>>
    tpu.wait_dma2 semaphore(%arg16 : memref<!tpu.dma_semaphore, #tpu.memory_space<semaphore_mem>>) src(%dma_wait3A_430 : memref<64x128xf32, #tpu.memory_space<vmem>>) dst(%dma_wait3A_426 : memref<64x128xf32, #tpu.memory_space<hbm>>)
    %dma_wait3A_431 = arith.constant 5 : i32
    %dma_wait3A_432 = arith.constant 0 : i32
    %dma_wait3A_433 = arith.constant 0 : i32
    %dma_wait3A_434 = tpu.memref_slice %arg6[%dma_wait3A_431, %dma_wait3A_432, %dma_wait3A_433] : memref<8x64x128xf32, #tpu.memory_space<vmem>> -> memref<1x64x128xf32, #tpu.memory_space<vmem>>
    %dma_wait3A_435 = tpu.memref_squeeze %dma_wait3A_434 : memref<1x64x128xf32, #tpu.memory_space<vmem>> -> memref<64x128xf32, #tpu.memory_space<vmem>>
    %dma_wait3A_436 = arith.constant 0 : i32
    %dma_wait3A_437 = tpu.memref_slice %arg4[%add3A_298, %dma_wait3A_436] : memref<16384x128xf32, #tpu.memory_space<hbm>> -> memref<64x128xf32, #tpu.memory_space<hbm>>
    %dma_wait3A_438 = arith.constant 0 : i32
    %dma_wait3A_439 = tpu.memref_slice %arg4[%add3A_298, %dma_wait3A_438] : memref<16384x128xf32, #tpu.memory_space<hbm>> -> memref<64x128xf32, #tpu.memory_space<hbm>>
    %dma_wait3A_440 = arith.constant 0 : i32
    %dma_wait3A_441 = arith.constant 0 : i32
    %dma_wait3A_442 = tpu.memref_slice %arg6[%dma_wait3A_431, %dma_wait3A_440, %dma_wait3A_441] : memref<8x64x128xf32, #tpu.memory_space<vmem>> -> memref<1x64x128xf32, #tpu.memory_space<vmem>>
    %dma_wait3A_443 = tpu.memref_squeeze %dma_wait3A_442 : memref<1x64x128xf32, #tpu.memory_space<vmem>> -> memref<64x128xf32, #tpu.memory_space<vmem>>
    tpu.wait_dma2 semaphore(%arg16 : memref<!tpu.dma_semaphore, #tpu.memory_space<semaphore_mem>>) src(%dma_wait3A_443 : memref<64x128xf32, #tpu.memory_space<vmem>>) dst(%dma_wait3A_439 : memref<64x128xf32, #tpu.memory_space<hbm>>)
    %dma_wait3A_444 = arith.constant 6 : i32
    %dma_wait3A_445 = arith.constant 0 : i32
    %dma_wait3A_446 = arith.constant 0 : i32
    %dma_wait3A_447 = tpu.memref_slice %arg6[%dma_wait3A_444, %dma_wait3A_445, %dma_wait3A_446] : memref<8x64x128xf32, #tpu.memory_space<vmem>> -> memref<1x64x128xf32, #tpu.memory_space<vmem>>
    %dma_wait3A_448 = tpu.memref_squeeze %dma_wait3A_447 : memref<1x64x128xf32, #tpu.memory_space<vmem>> -> memref<64x128xf32, #tpu.memory_space<vmem>>
    %dma_wait3A_449 = arith.constant 0 : i32
    %dma_wait3A_450 = tpu.memref_slice %arg4[%add3A_325, %dma_wait3A_449] : memref<16384x128xf32, #tpu.memory_space<hbm>> -> memref<64x128xf32, #tpu.memory_space<hbm>>
    %dma_wait3A_451 = arith.constant 0 : i32
    %dma_wait3A_452 = tpu.memref_slice %arg4[%add3A_325, %dma_wait3A_451] : memref<16384x128xf32, #tpu.memory_space<hbm>> -> memref<64x128xf32, #tpu.memory_space<hbm>>
    %dma_wait3A_453 = arith.constant 0 : i32
    %dma_wait3A_454 = arith.constant 0 : i32
    %dma_wait3A_455 = tpu.memref_slice %arg6[%dma_wait3A_444, %dma_wait3A_453, %dma_wait3A_454] : memref<8x64x128xf32, #tpu.memory_space<vmem>> -> memref<1x64x128xf32, #tpu.memory_space<vmem>>
    %dma_wait3A_456 = tpu.memref_squeeze %dma_wait3A_455 : memref<1x64x128xf32, #tpu.memory_space<vmem>> -> memref<64x128xf32, #tpu.memory_space<vmem>>
    tpu.wait_dma2 semaphore(%arg16 : memref<!tpu.dma_semaphore, #tpu.memory_space<semaphore_mem>>) src(%dma_wait3A_456 : memref<64x128xf32, #tpu.memory_space<vmem>>) dst(%dma_wait3A_452 : memref<64x128xf32, #tpu.memory_space<hbm>>)
    %dma_wait3A_457 = arith.constant 7 : i32
    %dma_wait3A_458 = arith.constant 0 : i32
    %dma_wait3A_459 = arith.constant 0 : i32
    %dma_wait3A_460 = tpu.memref_slice %arg6[%dma_wait3A_457, %dma_wait3A_458, %dma_wait3A_459] : memref<8x64x128xf32, #tpu.memory_space<vmem>> -> memref<1x64x128xf32, #tpu.memory_space<vmem>>
    %dma_wait3A_461 = tpu.memref_squeeze %dma_wait3A_460 : memref<1x64x128xf32, #tpu.memory_space<vmem>> -> memref<64x128xf32, #tpu.memory_space<vmem>>
    %dma_wait3A_462 = arith.constant 0 : i32
    %dma_wait3A_463 = tpu.memref_slice %arg4[%add3A_352, %dma_wait3A_462] : memref<16384x128xf32, #tpu.memory_space<hbm>> -> memref<64x128xf32, #tpu.memory_space<hbm>>
    %dma_wait3A_464 = arith.constant 0 : i32
    %dma_wait3A_465 = tpu.memref_slice %arg4[%add3A_352, %dma_wait3A_464] : memref<16384x128xf32, #tpu.memory_space<hbm>> -> memref<64x128xf32, #tpu.memory_space<hbm>>
    %dma_wait3A_466 = arith.constant 0 : i32
    %dma_wait3A_467 = arith.constant 0 : i32
    %dma_wait3A_468 = tpu.memref_slice %arg6[%dma_wait3A_457, %dma_wait3A_466, %dma_wait3A_467] : memref<8x64x128xf32, #tpu.memory_space<vmem>> -> memref<1x64x128xf32, #tpu.memory_space<vmem>>
    %dma_wait3A_469 = tpu.memref_squeeze %dma_wait3A_468 : memref<1x64x128xf32, #tpu.memory_space<vmem>> -> memref<64x128xf32, #tpu.memory_space<vmem>>
    tpu.wait_dma2 semaphore(%arg16 : memref<!tpu.dma_semaphore, #tpu.memory_space<semaphore_mem>>) src(%dma_wait3A_469 : memref<64x128xf32, #tpu.memory_space<vmem>>) dst(%dma_wait3A_465 : memref<64x128xf32, #tpu.memory_space<hbm>>)
    return
  }
}

</mosaic_0001>

<sc_bundles>
// kernel: kernel.3.cloned.1.call-start
scs
__scs_entry_jumppad:
0x0: {  	(pc) =	sbr.rel $0x88, $3  }
0x1: {  	(tag) =	ssettag $0x0;
	lr =	simm.s32 $0x1  }
0x2: {  	[smem:$0x3F9F] =	sst lr;
	_ =	strace $0xD0000000  }
0x3: {  	_ = 	snop  }
0x4: {  	_ = 	snop  }
0x5: {  	_ = 	snop  }
0x6: {  	_ = 	snop  }
0x7: {  	_ = 	snop  }
__scs_overlays_trampoline_lowered:
0x8: {  	[smem:$0x3FAE] =	sst s0  }
0x9: {  	[smem:$0x3FAF] =	sst s1  }
0xa: {  	[smem:$0x3FB0] =	sst s2  }
0xb: {  	[smem:$0x3FB1] =	sst s3  }
0xc: {  	[smem:$0x3FB2] =	sst s4  }
0xd: {  	[smem:$0x3FB3] =	sst s5  }
0xe: {  	[smem:$0x3FB4] =	sst s6  }
0xf: {  	[smem:$0x3FB5] =	sst s7  }
0x10: {  	[smem:$0x3FB6] =	sst s8  }
0x11: {  	[smem:$0x3FB7] =	sst s9;
	s0 =	simm.s32 @!p0 $0x0  }
0x12: {  	s1 =	sld [smem:$0x3F9D];
	s0 =	simm.s32 @p0 $0x1  }
0x13: {  	[smem:$0x3FB8] =	sst s0;
	s0 =	simm.s32 @!p1 $0x0  }
0x14: {  	s2 =	sld [smem:$0x3F9C];
	s0 =	simm.s32 @p1 $0x1  }
0x15: {  	[smem:$0x3FB9] =	sst s0;
	s0 =	simm.s32 @!p2 $0x0  }
0x16: {  	s3 =	sld [smem:$0x3FDB];
	s0 =	simm.s32 @p2 $0x1  }
0x17: {  	s4 =	simm.s32 $0x1BF5;
	[smem:$0x3FBB] =	sst s0  }
0x18: {  	s0 =	sld [smem:$0x3F9E];
	_ =	swait.ge [sflag:s4], $0x0  }
0x19: {  	s7 =	sld [smem:$0x3F9F]  }
0x1a: {  	s8 =	sadd.s32 $0xFFFFE003, lr  }
0x1b: {  	s9 =	sadd.s32 $0xFFFFFEF7, lr;
	s5 =	simm.s32 $0xFFFFFFFF;
	p2 =	slt.u32 s8, $0xFFFFF086  }
0x1c: {  	p1 =	slt.u32 s9, $0xF7A;
	s5 =	simm.s32 @!p2 $0x0  }
0x1d: {  	s5 =	simm.s32 @p1 $0x1;
	p0 =	seq.s32 s7, s2  }
0x1e: {  	s7 =	smul.u32 @!p0 $0xF7A, s2;
	p2 =	seq.s32 @!p0 s5, $0x0  }
0x1f: {  	s9 =	smul.u32 $0xF7A, s1;
	s8 =	simm.s32 @!p0 $0x1BF5;
	p2 =	por !p2, p0  }
0x20: {  	[sflag:s8] =	ssyncset.s32 @!p0 $0xFFFFF086;
	s6 =	sadd.s32 @!p0 s3, s7;
	s7 =	simm.s32 @!p0 $0x108  }
0x21: {  	s3 =	sadd.s32 s3, s9;
	s6 =	sadd.s32 @!p0 $0x88, s6;
	s7 =	simm.s32 @p2 $0x1082  }
0x22: {  	[simem:s7], [sflag:s8] =	dma.local @!p0 [hbm:s6], $0xF7A  }
0x23: {  	s9 =	sor.u32 $0xD0000000, s2;
	s6 =	simm.s32 $0x108;
	_ =	swait.ge @!p0 [sflag:s8], $0x0  }
0x24: {  	s3 =	sadd.s32 $0x88, s3;
	s6 =	simm.s32 @!p1 $0x1082;
	[sflag:s4] =	ssyncset.s32 $0xFFFFF086  }
0x25: {  	[simem:s6], [sflag:s4] =	dma.local [hbm:s3], $0xF7A  }
0x26: {  	[smem:$0x3F9F] =	sst s1;
	(tag) =	ssettag s2;
	_ =	strace s9  }
0x27: {  	s1 =	sld [smem:$0x3FAF]  }
0x28: {  	s2 =	sld [smem:$0x3FB0]  }
0x29: {  	s4 =	sld [smem:$0x3FB2]  }
0x2a: {  	p0 =	seq.s32 s5, $0x0;
	s5 =	sld [smem:$0x3FB3]  }
0x2b: {  	s6 =	sld [smem:$0x3FB4]  }
0x2c: {  	s7 =	sld [smem:$0x3FB5]  }
0x2d: {  	s3 =	simm.s32 $0x108;
	s8 =	sld [smem:$0x3FB6]  }
0x2e: {  	s3 =	simm.s32 @!p0 $0x1082;
	s9 =	sld [smem:$0x3FB7]  }
0x2f: {  	lr =	sadd.s32 s0, s3;
	s0 =	sld [smem:$0x3FAE]  }
0x30: {  	s3 =	sld [smem:$0x3FB1]  }
0x31: {  	[smem:$0x3FBA] =	sst s10  }
0x32: {  	s10 =	sld [smem:$0x3FB8];
	_ =	sdelay $0x3  }
0x33: {  	p0 =	seq.s32 s10, $0x1;
	s10 =	sld [smem:$0x3FBA];
	_ =	sdelay $0x3  }
0x34: {  	[smem:$0x3FBA] =	sst s10  }
0x35: {  	s10 =	sld [smem:$0x3FB9];
	_ =	sdelay $0x3  }
0x36: {  	p1 =	seq.s32 s10, $0x1;
	s10 =	sld [smem:$0x3FBA];
	_ =	sdelay $0x3  }
0x37: {  	[smem:$0x3FBA] =	sst s10  }
0x38: {  	s10 =	sld [smem:$0x3FBB]  }
0x39: {  	_ = 	snop;
	(pc) =	sbr.ind lr, $3  }
0x3a: {  	_ = 	snop  }
0x3b: {  	_ = 	snop  }
0x3c: {  	p2 =	seq.s32 s10, $0x1;
	s10 =	sld [smem:$0x3FBA]  }
0x3d: {  	_ =	shalt  }
0x3e: {  	_ =	shalt  }
0x3f: {  	_ =	shalt  }
0x40: {  	_ =	shalt  }
0x41: {  	_ =	shalt  }
0x42: {  	_ =	shalt  }
0x43: {  	_ =	shalt  }
0x44: {  	_ =	shalt  }
0x45: {  	_ =	shalt  }
0x46: {  	_ =	shalt  }
0x47: {  	_ =	shalt  }
0x48: {  	_ =	shalt  }
0x49: {  	_ =	shalt  }
0x4a: {  	_ =	shalt  }
0x4b: {  	_ =	shalt  }
0x4c: {  	_ =	shalt  }
0x4d: {  	_ =	shalt  }
0x4e: {  	_ =	shalt  }
0x4f: {  	_ =	shalt  }
0x50: {  	_ =	shalt  }
0x51: {  	_ =	shalt  }
0x52: {  	_ =	shalt  }
0x53: {  	_ =	shalt  }
0x54: {  	_ =	shalt  }
0x55: {  	_ =	shalt  }
0x56: {  	_ =	shalt  }
0x57: {  	_ =	shalt  }
0x58: {  	_ =	shalt  }
0x59: {  	_ =	shalt  }
0x5a: {  	_ =	shalt  }
0x5b: {  	_ =	shalt  }
0x5c: {  	_ =	shalt  }
0x5d: {  	_ =	shalt  }
0x5e: {  	_ =	shalt  }
0x5f: {  	_ =	shalt  }
0x60: {  	_ =	shalt  }
0x61: {  	_ =	shalt  }
0x62: {  	_ =	shalt  }
0x63: {  	_ =	shalt  }
0x64: {  	_ =	shalt  }
0x65: {  	_ =	shalt  }
0x66: {  	_ =	shalt  }
0x67: {  	_ =	shalt  }
0x68: {  	_ =	shalt  }
0x69: {  	_ =	shalt  }
0x6a: {  	_ =	shalt  }
0x6b: {  	_ =	shalt  }
0x6c: {  	_ =	shalt  }
0x6d: {  	_ =	shalt  }
0x6e: {  	_ =	shalt  }
0x6f: {  	_ =	shalt  }
0x70: {  	_ =	shalt  }
0x71: {  	_ =	shalt  }
0x72: {  	_ =	shalt  }
0x73: {  	_ =	shalt  }
0x74: {  	_ =	shalt  }
0x75: {  	_ =	shalt  }
0x76: {  	_ =	shalt  }
0x77: {  	_ =	shalt  }
0x78: {  	_ =	shalt  }
0x79: {  	_ =	shalt  }
0x7a: {  	_ =	shalt  }
0x7b: {  	_ =	shalt  }
0x7c: {  	_ =	shalt  }
0x7d: {  	_ =	shalt  }
0x7e: {  	_ =	shalt  }
0x7f: {  	_ =	shalt  }
0x80: {  	_ =	shalt  }
0x81: {  	_ =	shalt  }
0x82: {  	_ =	shalt  }
0x83: {  	_ =	shalt  }
0x84: {  	_ =	shalt  }
0x85: {  	_ =	shalt  }
0x86: {  	_ =	shalt  }
0x87: {  	_ =	shalt  }
.Lfunc_end0:
.L_simem_size_0:
called_computation_lowered:
.L_overlay_start_0:
0x88: {  	s2 =	sld [smem:$0x3FD9]  }
0x89: {  	s3 =	sld [smem:$0x3FFE];
	_ =	sdelay $0x1  }
0x8a: {  	s1 =	srdreg.scid  }
0x8b: {  	s0 =	sand.u32 $0x1, s1  }
0x8c: {  	s17 =	sshll.u32 s0, $0xA;
	s2 =	sadd.s32 s3, s2  }
0x8d: {  	s2 =	sadd.s32 s2, s17  }
0x8e: {  	[smem:$0x3FC6] =	sst s2  }
0x8f: {  	_ = 	snop  }
0x90: {  	s2 =	sld [smem:$0x3FC8]  }
0x91: {  	s18 =	sld [smem:$0x3FD0];
	(tm) =	ssettm $0x1  }
0x92: {  	s4 =	sld [smem:$0x3FFB];
	_ =	sdelay $0x3  }
0x93: {  	_ =	strace s4  }
0x94: {  	s4 =	sld [smem:$0x3FFC];
	_ =	sdelay $0x3  }
0x95: {  	_ =	strace s4  }
0x96: {  	s4 =	sld [smem:$0x3FFD];
	_ =	sdelay $0x3  }
0x97: {  	_ =	strace s4  }
0x98: {  	_ =	strace $0x8FFFFFFF  }
0x99: {  	s19 =	sld [smem:$0x3FDB];
	_ =	sdelay $0x1  }
0x9a: {  	s5 =	simm.s32 $_scs_section_size  }
0x9b: {  	s6 =	simm.s32 $_size__tile_overlayer_lowered;
	s7 =	simm.s32 $_tile_overlayer_lowered  }
0x9c: {  	s22 =	simm.s32 $0x1BFF;
	s21 =	sshll.u32 s7, $0x1;
	s4 =	sadd.s32 s5, s19  }
0x9d: {  	s8 =	simm.s32 $0x0;
	s20 =	sshll.u32 s6, $0x1;
	s6 =	sadd.s32 s21, s4  }
0x9e: {  	[timem:s8], [sflag:s22] =	dma.local [hbm:s6], s20  }
0x9f: {  	_ =	swait.ge [sflag:s22], s20  }
0xa0: {  	s5 =	ssub.s32 $0x0, s20;
	[sflag:s22] =	ssyncset.done $0x0  }
0xa1: {  	[sflag:s22] =	ssyncadd.s32 s5;
	_ =	sdelay $0x1  }
0xa2: {  	s23 =	simm.s32 $0x1B8B  }
0xa3: {  	_ =	swait.ge [sflag:s23], $0x1  }
0xa4: {  	[sflag:s23] =	ssyncset.done $0x0  }
0xa5: {  	s25 =	simm.s32 $0x1B8E;
	s24 =	sld [smem:$0x3FFE];
	[sflag:s23] =	ssyncadd.s32 $0xFFFFFFFF  }
0xa6: {  	s26 =	simm.s32 $execute0_lowered;
	[smem:$0x3FD2] =	sst s25  }
0xa7: {  	s6 =	sshll.u32 s26, $0x1;
	_ =	strace $0x80000046;
	[dreg:$0x1] =	wrdreg $0xFFFFFFFF  }
0xa8: {  	s28 =	simm.s32 $_size_execute0_lowered;
	s4 =	sadd.s32 s4, s6;
	[dreg:$0x0] =	wrdreg $0x0  }
0xa9: {  	s6 =	sshll.u32 s28, $0x1;
	[dreg:$0x2] =	wrdreg s4  }
0xaa: {  	[dreg:$0x3] =	wrdreg s6  }
0xab: {  	[dreg:$0x4] =	wrdreg $0xC0  }
0xac: {  	_ =	task [dreg:s8], $0x5FFFF  }
0xad: {  	[dreg:$0x1] =	wrdreg $0xFFFFFFFF  }
0xae: {  	[dreg:$0x0] =	wrdreg $0x60  }
0xaf: {  	[dreg:$0x2] =	wrdreg s24  }
0xb0: {  	[dreg:$0x3] =	wrdreg s2  }
0xb1: {  	[dreg:$0x4] =	wrdreg s18  }
0xb2: {  	[dreg:$0x5] =	wrdreg $0x104000  }
0xb3: {  	[dreg:$0x6] =	wrdreg $0x9  }
0xb4: {  	_ =	task.clear_ibuf [dreg:s8], $0x7FFFF;
	_ =	strace $0x90000046  }
0xb5: {  	s29 =	simm.s32 $0x9;
	_ =	strace $0x80000048  }
0xb6: {  	_ =	swait.ge [sflag:s29], $0x1  }
0xb7: {  	[sflag:s29] =	ssyncadd.s32 $0xFFFFFFFF  }
0xb8: {  	_ =	strace $0x90000048  }
0xb9: {  	_ =	sfence  }
0xba: {  	s30 =	sld [smem:$0x0];
	_ =	sdelay $0x2  }
0xbb: {  	s31 =	sshll.u32 s1, $0xD;
	s1 =	sshrl.u32 s1, $0x2  }
0xbc: {  	s3 =	sand.u32 $0x4000, s31;
	s1 =	sadd.s32 s1, s30  }
0xbd: {  	s0 =	sor.u32 s3, s0;
	s1 =	sshll.u32 s1, $0x11  }
0xbe: {  	s0 =	sor.u32 s1, s0  }
0xbf: {  	s0 =	sadd.s32 $0x8F2B, s0  }
0xc0: {  	[sflag:s0] =	ssyncadd.remote.s32 $0x1  }
0xc1: {  	_ =	sfence.sel $0xFFFF  }
0xc2: {  	[dreg:$0x0] =	wrdreg $0xFFFFFFFF;
	(pc) =	sbr.abs _section_cstart, $3  }
0xc3: {  	[dreg:$0x1] =	wrdreg $0xFFFFFFFF  }
0xc4: {  	_ =	task.clear_ibuf [dreg:s8], $0x2FFFF;
	_ =	strace $0x9FFFFFFF  }
0xc5: {  	(tm) =	ssettm $0x7FFFFFFF  }
tec
execute0_lowered:
.L_overlay_start_1:
0x0: {  	(tag) =	ssettag $0x1  }
0x1: {  	s0 =	rddreg [dreg:$0x0];
	s19 =	stileid.u32  }
0x2: {  	s14 =	rddreg [dreg:$0x1];
	p3 =	sgt.s32 s19, $0x1  }
0x3: {  	s1 =	rddreg [dreg:$0x2];
	p0 =	seq.s32 @p3 s19, $0x2  }
0x4: {  	s2 =	rddreg [dreg:$0x3];
	p1 =	por p0, !p3  }
0x5: {  	s3 =	srdreg.scid;
	p2 =	por !p0, !p3;
	p1 =	seq.s32 @!p1 s19, $0x3  }
0x6: {  	s30 =	simm.s32 $0x9;
	s4 =	simm.s32 @!p2 $0x0;
	p0 =	por @p3 !p1, p0  }
0x7: {  	s31 =	simm.s32 $0x40;
	s4 =	simm.s32 @p2 $0x1;
	p0 =	por p0, !p3  }
0x8: {  	s3 =	sand.u32 $0x1, s3;
	[smem:$0x7FB] =	sst s4;
	s4 =	simm.s32 @!p0 $0x0  }
0x9: {  	s10 =	sshll.u32 s19, $0x1;
	s4 =	simm.s32 @p0 $0x1;
	p0 =	sgt.s32 s19, $0x5  }
0xa: {  	s13 =	sadd.s32 $0x3800, s14;
	s7 =	sadd.s32 $0x18000, s2;
	p6 =	seq.s32 @!p0 s19, $0x4  }
0xb: {  	s15 =	sadd.s32 $0x3000, s14;
	s8 =	sadd.s32 $0x14000, s2;
	p1 =	por p6, p0  }
0xc: {  	s16 =	sadd.s32 $0x2800, s14;
	p4 =	seq.s32 @!p3 s19, $0x0;
	s5 =	simm.s32 @!p1 $0x0  }
0xd: {  	s9 =	sadd.s32 $0x10000, s2;
	p2 =	por p4, p3;
	s5 =	simm.s32 @p1 $0x1  }
0xe: {  	p5 =	seq.s32 @!p2 s19, $0x1;
	p2 =	por !p4, p3;
	[smem:$0x7F9] =	sst s5  }
0xf: {  	p4 =	por @!p3 !p5, p4;
	p5 =	seq.s32 @p0 s19, $0x6;
	s5 =	sld [smem:$0x7F9]  }
0x10: {  	s17 =	sadd.s32 $0x2000, s14;
	p3 =	por p4, p3;
	p4 =	por p5, !p0  }
0x11: {  	s18 =	sadd.s32 $0x1800, s14;
	s20 =	sadd.s32 $0x1000, s14;
	p4 =	seq.s32 @!p4 s19, $0x7  }
0x12: {  	p1 =	por @p0 !p4, p5;
	p4 =	por !p5, !p0;
	p5 =	seq.s32 s5, $0x1  }
0x13: {  	s21 =	sadd.s32 $0x800, s14;
	s6 =	sor.u32 s3, s10;
	p5 =	seq.s32 @!p5 s19, $0x5  }
0x14: {  	[smem:$0x7FC] =	sst s4;
	s4 =	simm.s32 $0x0;
	s5 =	simm.s32 @!p5 $0x0  }
0x15: {  	s3 =	ssub.s32 $0x2, s3;
	[smem:$0x7FF] =	sst s4;
	s5 =	simm.s32 @p5 $0x1  }
0x16: {  	s10 =	sadd.s32 $0xC000, s2;
	s11 =	sshll.u32 s6, $0x7;
	[smem:$0x7FA] =	sst s5  }
0x17: {  	s12 =	sshrl.u32 s3, $0x1;
	s6 =	sshll.u32 s6, $0xD;
	s5 =	sld [smem:$0x7FA]  }
0x18: {  	s0 =	sadd.s32 s11, s0;
	_ =	strace $0x80000047;
	[dreg:$0x5] =	wrdreg s13  }
0x19: {  	s3 =	ssub.s32 s3, s12;
	s11 =	sadd.s32 $0x8000, s2;
	[dreg:$0x6] =	wrdreg s15  }
0x1a: {  	s12 =	sadd.s32 s1, s6;
	s6 =	simm.s32 $0x4;
	[dreg:$0x7] =	wrdreg s16  }
0x1b: {  	s22 =	sadd.s32 $0x400, s0;
	s0 =	sadd.s32 $0x1C000, s2;
	[dreg:$0x8] =	wrdreg s17  }
0x1c: {  	s26 =	sadd.s32 $0x1000, s12;
	s25 =	sadd.s32 $0x1400, s12;
	[dreg:$0x9] =	wrdreg s18  }
0x1d: {  	s28 =	sadd.s32 $0x1800, s12;
	p5 =	por p1, !p0;
	[dreg:$0xa] =	wrdreg s20  }
0x1e: {  	s29 =	sadd.s32 $0x1C00, s12;
	s0 =	sshrl.u32 @!p5 s0, $0x3;
	[dreg:$0xb] =	wrdreg s21  }
0x1f: {  	s13 =	sadd.s32 $0x4000, s2;
	s15 =	sadd.s32 $0x400, s12;
	[dreg:$0x10] =	wrdreg s0  }
0x20: {  	s16 =	sadd.s32 $0x800, s12;
	s17 =	sadd.s32 $0xC00, s12;
	[dreg:$0x13] =	wrdreg s25  }
0x21: {  	s18 =	smax.u32 s3, $0x1;
	[dreg:$0x14] =	wrdreg s28;
	s3 =	simm.s32 $0x400  }
0x22: {  	s21 =	simm.s32 $0xC400;
	s23 =	sld [smem:$0x7FB];
	p1 =	seq.s32 s5, $0x1  }
0x23: {  	s25 =	simm.s32 $0x2;
	s24 =	sld [smem:$0x7FC];
	p1 =	por @!p0 !p1, p6  }
0x24: {  	s20 =	simm.s32 $0x8;
	p6 =	por !p6, p0;
	p0 =	por p1, p0  }
0x25: {  	p1 =	seq.s32 s23, $0x1;
	s0 =	sshrl.u32 @!p6 s9, $0x3;
	s9 =	simm.s32 $0x6400  }
0x26: {  	s23 =	simm.s32 $0xE400;
	s1 =	sshrl.u32 @!p1 s11, $0x3;
	p1 =	seq.s32 s24, $0x1  }
0x27: {  	[dreg:$0x11] =	wrdreg s0;
	s0 =	sshrl.u32 @!p0 s8, $0x3;
	s11 =	simm.s32 $0x8400  }
0x28: {  	s24 =	simm.s32 $0x1;
	s8 =	simm.s32 $0x5;
	[dreg:$0xc] =	wrdreg s1  }
0x29: {  	s1 =	sshrl.u32 @!p1 s10, $0x3;
	[dreg:$0x12] =	wrdreg s0;
	p1 =	sgt.s32 s19, $0x3  }
.Ltmp0:
0x2a: {  	s19 =	simm.s32 $0xA400;
	s10 =	simm.s32 $0x6;
	(pc) =	sbr.rel .LBB2_1-.Ltmp0, $4  }
0x2b: {  	[dreg:$0xd] =	wrdreg s1;
	s1 =	sshrl.u32 @!p3 s13, $0x3;
	s0 =	simm.s32 @!p1 $0x0  }
0x2c: {  	s13 =	simm.s32 $0x7;
	[dreg:$0xe] =	wrdreg s1;
	s1 =	sshrl.u32 @!p4 s7, $0x3  }
0x2d: {  	s0 =	simm.s32 @p1 $0x1;
	s7 =	simm.s32 $0x4400;
	[dreg:$0xf] =	wrdreg s1  }
0x2e: {  	[smem:$0x7FD] =	sst s0;
	s1 =	simm.s32 $0x2400;
	s0 =	simm.s32 $0x3  }
.LBB2_3:
0x2f: {  	s14 =	rddreg [dreg:$0x6]  }
0x30: {  	s5 =	simm.s32 @!p4 $0x1D8A;
	s28 =	rddreg [dreg:$0xf]  }
0x31: {  	[spmem:s28], [sflag:s5] =	dma.local @!p4 [hbm:s14], $0x800  }
0x32: {  	s5 =	simm.s32 @!p4 $0xA  }
0x33: {  	_ =	swait.ge @!p4 [sflag:s5], $0x800  }
0x34: {  	[sflag:s5] =	ssyncset.done @!p4 $0x0;
	s14 =	rddreg [dreg:$0x5]  }
0x35: {  	s28 =	rddreg [dreg:$0x10];
	[sflag:s5] =	ssyncadd.s32 @!p4 $0xFFFFF800;
	s5 =	simm.s32 @!p5 $0x1DCA  }
0x36: {  	[spmem:s28], [sflag:s5] =	dma.local @!p5 [hbm:s14], $0x680  }
0x37: {  	s5 =	simm.s32 @!p5 $0xA  }
0x38: {  	_ =	swait.ge @!p5 [sflag:s5], $0x680  }
0x39: {  	[sflag:s5] =	ssyncset.done @!p5 $0x0;
	s14 =	rddreg [dreg:$0x8]  }
0x3a: {  	s28 =	rddreg [dreg:$0x11];
	[sflag:s5] =	ssyncadd.s32 @!p5 $0xFFFFF980;
	s5 =	simm.s32 @!p6 $0x1D0A  }
0x3b: {  	[spmem:s28], [sflag:s5] =	dma.local @!p6 [hbm:s14], $0x800  }
0x3c: {  	s5 =	simm.s32 @!p6 $0xA  }
0x3d: {  	_ =	swait.ge @!p6 [sflag:s5], $0x800  }
0x3e: {  	[sflag:s5] =	ssyncset.done @!p6 $0x0;
	s14 =	rddreg [dreg:$0x7]  }
0x3f: {  	s28 =	rddreg [dreg:$0x12];
	[sflag:s5] =	ssyncadd.s32 @!p6 $0xFFFFF800;
	s5 =	simm.s32 @!p0 $0x1D4A  }
0x40: {  	[spmem:s28], [sflag:s5] =	dma.local @!p0 [hbm:s14], $0x800  }
0x41: {  	s5 =	simm.s32 @!p0 $0xA  }
0x42: {  	_ =	swait.ge @!p0 [sflag:s5], $0x800  }
0x43: {  	[sflag:s5] =	ssyncset.done @!p0 $0x0  }
0x44: {  	[sflag:s5] =	ssyncadd.s32 @!p0 $0xFFFFF800  }
.LBB2_4:
0x45: {  	[bflag:$0x0] =	sbarrier.arrive $0xFFFF  }
0x46: {  	_ =	swait.ge [sflag:s30], $0x400  }
0x47: {  	[sflag:s30] =	ssyncset.done $0x0  }
0x48: {  	[sflag:s30] =	ssyncadd.s32 $0xFFFFFC00  }
0x49: {  	[tilespmem:s3], [sflag:$0x1] =	stream.indirect.gather [spmem:s2], $0x80, s4, s31, $0xb8;
	[tilespmem:$0x12340] =	vst v63  }
0x4a: {  	s5 =	simm.s32 $0x80  }
0x4b: {  	[tilespmem:s1], [sflag:$0x2] =	stream.indirect.gather [spmem:s2], $0x80, s5, s31, $0xb8;
	[tilespmem:$0x12340] =	vst v63  }
0x4c: {  	s14 =	simm.s32 $0x100  }
0x4d: {  	[tilespmem:s7], [sflag:$0x3] =	stream.indirect.gather [spmem:s2], $0x80, s14, s31, $0xb8;
	[tilespmem:$0x12340] =	vst v63  }
0x4e: {  	s28 =	simm.s32 $0x180  }
0x4f: {  	[tilespmem:s9], [sflag:$0x4] =	stream.indirect.gather [spmem:s2], $0x80, s28, s31, $0xb8;
	[tilespmem:$0x12340] =	vst v63  }
0x50: {  	s14 =	simm.s32 $0x200  }
0x51: {  	[tilespmem:s11], [sflag:$0x5] =	stream.indirect.gather [spmem:s2], $0x80, s14, s31, $0xb8;
	[tilespmem:$0x12340] =	vst v63  }
0x52: {  	s28 =	simm.s32 $0x280  }
0x53: {  	[tilespmem:s19], [sflag:$0x6] =	stream.indirect.gather [spmem:s2], $0x80, s28, s31, $0xb8;
	[tilespmem:$0x12340] =	vst v63  }
0x54: {  	s14 =	simm.s32 $0x300  }
0x55: {  	[tilespmem:s21], [sflag:$0x7] =	stream.indirect.gather [spmem:s2], $0x80, s14, s31, $0xb8;
	[tilespmem:$0x12340] =	vst v63  }
0x56: {  	s28 =	simm.s32 $0x380  }
0x57: {  	[tilespmem:s23], [sflag:$0x8] =	stream.indirect.gather [spmem:s2], $0x80, s28, s31, $0xb8;
	[tilespmem:$0x12340] =	vst v63  }
0x58: {  	_ =	swait.ge [sflag:s24], $0x2000  }
0x59: {  	[sflag:s24] =	ssyncset.done $0x0  }
0x5a: {  	[sflag:s24] =	ssyncadd.s32 $0xFFFFE000  }
0x5b: {  	[hbm4b:s12+s4] =	stream.linear.scatter [tilespmem:s3], [sflag:$0x9], $0x2000, $0x38;
	[tilespmem:$0x12340] =	vst v63  }
0x5c: {  	_ =	swait.ge [sflag:s25], $0x2000  }
0x5d: {  	[sflag:s25] =	ssyncset.done $0x0  }
0x5e: {  	[sflag:s25] =	ssyncadd.s32 $0xFFFFE000  }
0x5f: {  	[hbm4b:s15+s4] =	stream.linear.scatter [tilespmem:s1], [sflag:$0x9], $0x2000, $0x38;
	[tilespmem:$0x12340] =	vst v63  }
0x60: {  	_ =	swait.ge [sflag:s0], $0x2000  }
0x61: {  	[sflag:s0] =	ssyncset.done $0x0  }
0x62: {  	[sflag:s0] =	ssyncadd.s32 $0xFFFFE000  }
0x63: {  	[hbm4b:s16+s4] =	stream.linear.scatter [tilespmem:s7], [sflag:$0x9], $0x2000, $0x38;
	[tilespmem:$0x12340] =	vst v63  }
0x64: {  	_ =	swait.ge [sflag:s6], $0x2000  }
0x65: {  	[sflag:s6] =	ssyncset.done $0x0  }
0x66: {  	[sflag:s6] =	ssyncadd.s32 $0xFFFFE000  }
0x67: {  	[hbm4b:s17+s4] =	stream.linear.scatter [tilespmem:s9], [sflag:$0x9], $0x2000, $0x38;
	[tilespmem:$0x12340] =	vst v63  }
0x68: {  	_ =	swait.ge [sflag:s8], $0x2000  }
0x69: {  	[sflag:s8] =	ssyncset.done $0x0  }
0x6a: {  	[sflag:s8] =	ssyncadd.s32 $0xFFFFE000  }
0x6b: {  	[hbm4b:s26+s4] =	stream.linear.scatter [tilespmem:s11], [sflag:$0x9], $0x2000, $0x38;
	[tilespmem:$0x12340] =	vst v63  }
0x6c: {  	_ =	swait.ge [sflag:s10], $0x2000  }
0x6d: {  	[sflag:s10] =	ssyncset.done $0x0  }
0x6e: {  	s14 =	rddreg [dreg:$0x13];
	[sflag:s10] =	ssyncadd.s32 $0xFFFFE000  }
0x6f: {  	[hbm4b:s14+s4] =	stream.linear.scatter [tilespmem:s19], [sflag:$0x9], $0x2000, $0x38;
	[tilespmem:$0x12340] =	vst v63  }
0x70: {  	_ =	swait.ge [sflag:s13], $0x2000  }
0x71: {  	[sflag:s13] =	ssyncset.done $0x0  }
0x72: {  	s28 =	rddreg [dreg:$0x14];
	[sflag:s13] =	ssyncadd.s32 $0xFFFFE000  }
0x73: {  	[hbm4b:s28+s4] =	stream.linear.scatter [tilespmem:s21], [sflag:$0x9], $0x2000, $0x38;
	[tilespmem:$0x12340] =	vst v63  }
0x74: {  	_ =	swait.ge [sflag:s20], $0x2000  }
0x75: {  	[sflag:s20] =	ssyncset.done $0x0  }
0x76: {  	[sflag:s20] =	ssyncadd.s32 $0xFFFFE000  }
0x77: {  	[hbm4b:s29+s4] =	stream.linear.scatter [tilespmem:s23], [sflag:$0x9], $0x2000, $0x38;
	[tilespmem:$0x12340] =	vst v63  }
0x78: {  	_ =	swait.ge [sflag:s30], $0x2000  }
0x79: {  	[sflag:s30] =	ssyncset.done $0x0  }
0x7a: {  	[sflag:s30] =	ssyncadd.s32 $0xFFFFE000  }
0x7b: {  	_ =	swait.ge [sflag:s30], $0x2000  }
0x7c: {  	[sflag:s30] =	ssyncset.done $0x0  }
0x7d: {  	[sflag:s30] =	ssyncadd.s32 $0xFFFFE000  }
0x7e: {  	_ =	swait.ge [sflag:s30], $0x2000  }
0x7f: {  	[sflag:s30] =	ssyncset.done $0x0  }
0x80: {  	[sflag:s30] =	ssyncadd.s32 $0xFFFFE000  }
0x81: {  	_ =	swait.ge [sflag:s30], $0x2000  }
0x82: {  	[sflag:s30] =	ssyncset.done $0x0  }
0x83: {  	[sflag:s30] =	ssyncadd.s32 $0xFFFFE000  }
0x84: {  	_ =	swait.ge [sflag:s30], $0x2000  }
0x85: {  	[sflag:s30] =	ssyncset.done $0x0  }
0x86: {  	[sflag:s30] =	ssyncadd.s32 $0xFFFFE000  }
0x87: {  	_ =	swait.ge [sflag:s30], $0x2000  }
0x88: {  	[sflag:s30] =	ssyncset.done $0x0  }
0x89: {  	s18 =	sadd.s32 $0xFFFFFFFF, s18;
	[sflag:s30] =	ssyncadd.s32 $0xFFFFE000  }
0x8a: {  	p1 =	sne.s32 s18, $0x0;
	_ =	swait.ge [sflag:s30], $0x2000  }
.Ltmp1:
0x8b: {  	[sflag:s30] =	ssyncset.done $0x0;
	(pc) =	sbr.rel @!p1 .LBB2_5-.Ltmp1, $4  }
0x8c: {  	[sflag:s30] =	ssyncadd.s32 $0xFFFFE000  }
0x8d: {  	_ =	swait.ge [sflag:s30], $0x2000  }
0x8e: {  	[sflag:s30] =	ssyncset.done $0x0  }
0x8f: {  	[sflag:s30] =	ssyncadd.s32 $0xFFFFE000  }
.LBB2_1:
0x90: {  	s5 =	sld [smem:$0x7FD];
	_ =	sdelay $0x2  }
0x91: {  	p1 =	seq.s32 s5, $0x1  }
.Ltmp2:
0x92: {  	_ = 	snop;
	(pc) =	sbr.rel @p1 .LBB2_3-.Ltmp2, $2  }
0x93: {  	_ =	sdelay $0x2  }
0x94: {  	[tilespmem:s4], [sflag:$0x9] =	stream.linear.gather [hbm4b:s22+s4], $0x400, $0x38;
	[tilespmem:$0x12340] =	vst v63  }
0x95: {  	s5 =	sld [smem:$0x7FB];
	_ =	sdelay $0x1  }
0x96: {  	s28 =	smov.u32 s26;
	s26 =	smov.u32 s17;
	s17 =	smov.u32 s16  }
0x97: {  	s16 =	smov.u32 s15;
	s14 =	rddreg [dreg:$0xc];
	p1 =	seq.s32 s5, $0x1  }
0x98: {  	s15 =	smov.u32 s22;
	s5 =	rddreg [dreg:$0xa];
	s22 =	simm.s32 @!p1 $0x1C8A  }
0x99: {  	[spmem:s14], [sflag:s22] =	dma.local @!p1 [hbm:s5], $0x800  }
0x9a: {  	s22 =	simm.s32 @!p1 $0xA  }
0x9b: {  	_ =	swait.ge @!p1 [sflag:s22], $0x800  }
0x9c: {  	[sflag:s22] =	ssyncset.done @!p1 $0x0  }
0x9d: {  	[sflag:s22] =	ssyncadd.s32 @!p1 $0xFFFFF800;
	s22 =	sld [smem:$0x7FC];
	_ =	sdelay $0x2  }
0x9e: {  	s5 =	rddreg [dreg:$0x9];
	p1 =	seq.s32 s22, $0x1  }
0x9f: {  	s14 =	rddreg [dreg:$0xd];
	s22 =	simm.s32 @!p1 $0x1CCA  }
0xa0: {  	[spmem:s14], [sflag:s22] =	dma.local @!p1 [hbm:s5], $0x800  }
0xa1: {  	s22 =	simm.s32 @!p1 $0xA  }
0xa2: {  	_ =	swait.ge @!p1 [sflag:s22], $0x800  }
0xa3: {  	[sflag:s22] =	ssyncset.done @!p1 $0x0  }
0xa4: {  	[sflag:s22] =	ssyncadd.s32 @!p1 $0xFFFFF800  }
0xa5: {  	s5 =	simm.s32 @!p2 $0x1C0A;
	s22 =	sshrl.u32 @!p2 s2, $0x3;
	s14 =	rddreg [dreg:$0x1]  }
0xa6: {  	[spmem:s22], [sflag:s5] =	dma.local @!p2 [hbm:s14], $0x800  }
0xa7: {  	s22 =	smov.u32 s15;
	s15 =	smov.u32 s16;
	s5 =	simm.s32 @!p2 $0xA  }
0xa8: {  	s16 =	smov.u32 s17;
	s17 =	smov.u32 s26;
	_ =	swait.ge @!p2 [sflag:s5], $0x800  }
0xa9: {  	s26 =	smov.u32 s28;
	[sflag:s5] =	ssyncset.done @!p2 $0x0;
	s14 =	rddreg [dreg:$0xb]  }
0xaa: {  	s28 =	rddreg [dreg:$0xe];
	[sflag:s5] =	ssyncadd.s32 @!p2 $0xFFFFF800;
	s5 =	simm.s32 @!p3 $0x1C4A  }
0xab: {  	[spmem:s28], [sflag:s5] =	dma.local @!p3 [hbm:s14], $0x800  }
.Ltmp3:
0xac: {  	_ = 	snop;
	(pc) =	sbr.rel .LBB2_4-.Ltmp3, $4  }
0xad: {  	s5 =	simm.s32 @!p3 $0xA  }
0xae: {  	_ =	swait.ge @!p3 [sflag:s5], $0x800  }
0xaf: {  	[sflag:s5] =	ssyncset.done @!p3 $0x0  }
0xb0: {  	[sflag:s5] =	ssyncadd.s32 @!p3 $0xFFFFF800  }
.LBB2_5:
0xb1: {  	_ =	sfence.sel $0x180000  }
0xb2: {  	[bflag:$0x0] =	sbarrier.arrive $0xFFFF  }
0xb3: {  	_ =	strace $0x90000047  }
0xb4: {  	s0 =	stileid.u32;
	[bflag:$0x2] =	sbarrier.arrive $0xFFFF  }
0xb5: {  	p0 =	sne.s32 s0, $0x0;
	s0 =	rddreg [dreg:$0x4]  }
0xb6: {  	s0 =	sadd.s32 @!p0 $0x100000, s0  }
0xb7: {  	[sflag:s0] =	ssyncadd.tile.s32 @!p0 $0x1;
	_ =	shalt  }
.Lfunc_end2:
_tile_overlayer_lowered:
.L_overlay_start_2:
0xb8: {  	(tag) =	ssettag $0x2  }
0xb9: {  	s0 =	rddreg [dreg:$0x0];
	s2 =	stileid.u32  }
0xba: {  	s1 =	rddreg [dreg:$0x1];
	p0 =	sne.s32 s2, $0x0  }
0xbb: {  	s3 =	rddreg [dreg:$0x2];
	[bflag:$0x3] =	sbarrier.arrive $0xFFFF;
	s2 =	simm.s32 @!p0 $0x1C0A  }
0xbc: {  	[timem:s3], [sflag:s2] =	dma.local @!p0 [hbm:s0], s1  }
0xbd: {  	s0 =	simm.s32 @!p0 $0xA  }
0xbe: {  	_ =	swait.ge @!p0 [sflag:s0], s1  }
0xbf: {  	s1 =	ssub.s32 @!p0 $0x0, s1;
	[sflag:s0] =	ssyncset.done @!p0 $0x0  }
0xc0: {  	[sflag:s0] =	ssyncadd.s32 @!p0 s1  }
0xc1: {  	[bflag:$0x3] =	sbarrier.arrive $0xFFFF  }
0xc2: {  	_ =	shalt  }

</sc_bundles>
